<compile_context>
chip_gen: v7x
topology: tpu7x:2x2x1
jax: 0.10.2.dev20260603
libtpu: 0.0.44.dev20260713+nightly
codegen_flags: <defaults>
</compile_context>

<pallas_src>
import functools

import jax
import jax.numpy as jnp
from jax import lax
from jax.experimental import pallas as pl
from jax.experimental.pallas import tpu as pltpu
from jax.experimental.pallas import tpu_sc as plsc

NC = 2
NS = 16
L = 16
NW = NC * NS
EB = 128
ALPHA = 0.05
NEG_SLOPE = 0.2

_SC_PARAMS = dict(
    compiler_params=pltpu.CompilerParams(
        needs_layout_passes=False, use_tc_tiling_on_sc=False
    ),
)


def _pad_up(x, m):
    return ((x + m - 1) // m) * m


def _padrows(X, N):
    return jnp.pad(X, ((0, N - X.shape[0]), (0, 0)))



def _fc(X, W, b):
    def body(x_ref, w_ref, b_ref, o_ref):
        o_ref[...] = (
            jnp.dot(x_ref[...], w_ref[...], preferred_element_type=jnp.float32)
            + b_ref[...]
        )
    n, _ = X.shape
    H = W.shape[1]
    return pl.pallas_call(
        body, out_shape=jax.ShapeDtypeStruct((n, H), jnp.float32)
    )(X, W, b.reshape(1, H))


def _proj_attn1(X, W, al, ar):
    def body(x_ref, w_ref, al_ref, ar_ref, f_ref, el_ref, er_ref):
        f = jnp.dot(x_ref[...], w_ref[...], preferred_element_type=jnp.float32)
        f_ref[...] = f
        el_ref[...] = jnp.sum(f * al_ref[...], axis=1, keepdims=True)
        er_ref[...] = jnp.sum(f * ar_ref[...], axis=1, keepdims=True)
    n = X.shape[0]
    H = W.shape[1]
    return pl.pallas_call(
        body,
        out_shape=[
            jax.ShapeDtypeStruct((n, H), jnp.float32),
            jax.ShapeDtypeStruct((n, 1), jnp.float32),
            jax.ShapeDtypeStruct((n, 1), jnp.float32),
        ],
    )(X, W, al, ar)


def _proj_attn1_T(XT, W3, al, ar):
    heads, N, H = XT.shape
    C = W3.shape[2]
    def body(x_ref, w_ref, al_ref, ar_ref, f_ref, el_ref, er_ref):
        f = jnp.dot(x_ref[0], w_ref[0], preferred_element_type=jnp.float32)
        for h in range(1, heads):
            f += jnp.dot(x_ref[h], w_ref[h], preferred_element_type=jnp.float32)
        f_ref[...] = f
        el_ref[...] = jnp.sum(f * al_ref[...], axis=1, keepdims=True)
        er_ref[...] = jnp.sum(f * ar_ref[...], axis=1, keepdims=True)
    blk = N // 8
    return pl.pallas_call(
        body,
        grid=(N // blk,),
        in_specs=[
            pl.BlockSpec((heads, blk, H), lambda i: (0, i, 0)),
            pl.BlockSpec(W3.shape, lambda i: (0, 0, 0)),
            pl.BlockSpec(al.shape, lambda i: (0, 0)),
            pl.BlockSpec(ar.shape, lambda i: (0, 0)),
        ],
        out_specs=[
            pl.BlockSpec((blk, C), lambda i: (i, 0)),
            pl.BlockSpec((blk, 1), lambda i: (i, 0)),
            pl.BlockSpec((blk, 1), lambda i: (i, 0)),
        ],
        out_shape=[
            jax.ShapeDtypeStruct((N, C), jnp.float32),
            jax.ShapeDtypeStruct((N, 1), jnp.float32),
            jax.ShapeDtypeStruct((N, 1), jnp.float32),
        ],
    )(XT, W3, al, ar)


def _proj_heads(X, W3T):
    N, K = X.shape
    heads, H = W3T.shape[0], W3T.shape[2]
    blk = N // 8
    def body(x_ref, w_ref, o_ref):
        o_ref[0] = jnp.dot(
            x_ref[...], w_ref[0], preferred_element_type=jnp.float32
        )
    return pl.pallas_call(
        body,
        grid=(heads, N // blk),
        in_specs=[
            pl.BlockSpec((blk, K), lambda h, i: (i, 0)),
            pl.BlockSpec((1, K, H), lambda h, i: (h, 0, 0)),
        ],
        out_specs=pl.BlockSpec((1, blk, H), lambda h, i: (h, i, 0)),
        out_shape=jax.ShapeDtypeStruct((heads, N, H), jnp.float32),
    )(X, W3T)


def _proj_heads_T(XT, W4):
    heads, N, H = XT.shape
    blk = N // 8
    def body(x_ref, w_ref, o_ref):
        acc = jnp.dot(x_ref[0], w_ref[0, 0], preferred_element_type=jnp.float32)
        for hi in range(1, heads):
            acc += jnp.dot(
                x_ref[hi], w_ref[0, hi], preferred_element_type=jnp.float32
            )
        o_ref[0] = acc
    return pl.pallas_call(
        body,
        grid=(heads, N // blk),
        in_specs=[
            pl.BlockSpec((heads, blk, H), lambda h, i: (0, i, 0)),
            pl.BlockSpec((1, heads, H, H), lambda h, i: (h, 0, 0, 0)),
        ],
        out_specs=pl.BlockSpec((1, blk, H), lambda h, i: (h, i, 0)),
        out_shape=jax.ShapeDtypeStruct((heads, N, H), jnp.float32),
    )(XT, W4)


def _attn_logitsP(Xp, W3T, al, ar):
    N, K = Xp.shape
    heads = W3T.shape[0]
    blk = N // 8
    def body(x_ref, w_ref, al_ref, ar_ref, el_ref, er_ref):
        VlT = jnp.sum(w_ref[...] * al_ref[...][:, None, :], axis=-1)
        VrT = jnp.sum(w_ref[...] * ar_ref[...][:, None, :], axis=-1)
        el_ref[...] = jnp.dot(x_ref[...], VlT.T,
                              preferred_element_type=jnp.float32)
        er_ref[...] = jnp.dot(x_ref[...], VrT.T,
                              preferred_element_type=jnp.float32)
    return pl.pallas_call(
        body,
        grid=(N // blk,),
        in_specs=[
            pl.BlockSpec((blk, K), lambda i: (i, 0)),
            pl.BlockSpec((heads, K, W3T.shape[2]), lambda i: (0, 0, 0)),
            pl.BlockSpec(al.shape, lambda i: (0, 0)),
            pl.BlockSpec(ar.shape, lambda i: (0, 0)),
        ],
        out_specs=[
            pl.BlockSpec((blk, heads), lambda i: (i, 0)),
            pl.BlockSpec((blk, heads), lambda i: (i, 0)),
        ],
        out_shape=[
            jax.ShapeDtypeStruct((N, heads), jnp.float32),
            jax.ShapeDtypeStruct((N, heads), jnp.float32),
        ],
    )(Xp, W3T, al, ar)


def _attn_logits_TP(XT, W7, al, ar):
    NP, N, Dp = XT.shape
    heads = W7.shape[2]
    blk = N // 8
    def body(x_ref, w_ref, al_ref, ar_ref, el_ref, er_ref):
        Vl = jnp.sum(w_ref[...] * al_ref[...][None, None, :, :], axis=-1)
        Vr = jnp.sum(w_ref[...] * ar_ref[...][None, None, :, :], axis=-1)
        accl = jnp.dot(x_ref[0], Vl[0], preferred_element_type=jnp.float32)
        accr = jnp.dot(x_ref[0], Vr[0], preferred_element_type=jnp.float32)
        for pi in range(1, NP):
            accl += jnp.dot(x_ref[pi], Vl[pi],
                            preferred_element_type=jnp.float32)
            accr += jnp.dot(x_ref[pi], Vr[pi],
                            preferred_element_type=jnp.float32)
        el_ref[...] = accl
        er_ref[...] = accr
    return pl.pallas_call(
        body,
        grid=(N // blk,),
        in_specs=[
            pl.BlockSpec((NP, blk, Dp), lambda i: (0, i, 0)),
            pl.BlockSpec(W7.shape, lambda i: (0, 0, 0, 0)),
            pl.BlockSpec(al.shape, lambda i: (0, 0)),
            pl.BlockSpec(ar.shape, lambda i: (0, 0)),
        ],
        out_specs=[
            pl.BlockSpec((blk, heads), lambda i: (i, 0)),
            pl.BlockSpec((blk, heads), lambda i: (i, 0)),
        ],
        out_shape=[
            jax.ShapeDtypeStruct((N, heads), jnp.float32),
            jax.ShapeDtypeStruct((N, heads), jnp.float32),
        ],
    )(XT, W7, al, ar)


def _transpose8(x):
    N, heads = x.shape
    def body(x_ref, o_ref):
        o_ref[...] = x_ref[...].T
    return pl.pallas_call(
        body, out_shape=jax.ShapeDtypeStruct((heads, N), jnp.float32)
    )(x)


def _combine_inv(s_parts):
    def body(s_ref, o_ref):
        o_ref[...] = 1.0 / (jnp.sum(s_ref[...], axis=0, keepdims=True) + 1e-12)
    K = s_parts.shape[1]
    return pl.pallas_call(
        body, out_shape=jax.ShapeDtypeStruct((1, K), jnp.float32)
    )(s_parts)


def _resid1(p, X):
    def body(p_ref, x_ref, o_ref):
        o_ref[...] = p_ref[0] + p_ref[1] + x_ref[...]
    n, H = X.shape
    return pl.pallas_call(
        body, out_shape=jax.ShapeDtypeStruct((n, H), jnp.float32)
    )(p, X)


def _combine_relu(p, n, res=None):
    heads, N, H = p.shape[1], p.shape[2], p.shape[3]
    blk = N // 8
    def mask(i, val):
        rows = lax.broadcasted_iota(jnp.int32, (heads, blk, H), 1) + i * blk
        return jnp.where(rows < n, val, 0.0)
    if res is None:
        def body(p_ref, o_ref):
            i = pl.program_id(0)
            o_ref[...] = mask(i, jax.nn.relu(p_ref[0] + p_ref[1]))
        ins = (p,)
        in_specs = [pl.BlockSpec((2, heads, blk, H), lambda i: (0, 0, i, 0))]
    else:
        def body(p_ref, r_ref, o_ref):
            i = pl.program_id(0)
            o_ref[...] = mask(i, jax.nn.relu(p_ref[0] + p_ref[1] + r_ref[...]))
        ins = (p, res)
        in_specs = [
            pl.BlockSpec((2, heads, blk, H), lambda i: (0, 0, i, 0)),
            pl.BlockSpec((heads, blk, H), lambda i: (0, i, 0)),
        ]
    return pl.pallas_call(
        body,
        grid=(N // blk,),
        in_specs=in_specs,
        out_specs=pl.BlockSpec((heads, blk, H), lambda i: (0, i, 0)),
        out_shape=jax.ShapeDtypeStruct((heads, N, H), jnp.float32),
    )(*ins)


def _final(pf, XT, Wres3):
    heads, N, H = XT.shape
    C = Wres3.shape[2]
    def body(p_ref, x_ref, w_ref, o_ref):
        y = p_ref[0] + p_ref[1]
        for h in range(heads):
            y += jnp.dot(x_ref[h], w_ref[h], preferred_element_type=jnp.float32)
        nrm = jnp.sqrt(jnp.sum(y * y, axis=1, keepdims=True))
        o_ref[...] = y / jnp.maximum(nrm, 1e-12)
    blk = N // 8
    return pl.pallas_call(
        body,
        grid=(N // blk,),
        in_specs=[
            pl.BlockSpec((2, blk, C), lambda i: (0, i, 0)),
            pl.BlockSpec((heads, blk, H), lambda i: (0, i, 0)),
            pl.BlockSpec(Wres3.shape, lambda i: (0, 0, 0)),
        ],
        out_specs=pl.BlockSpec((blk, C), lambda i: (i, 0)),
        out_shape=jax.ShapeDtypeStruct((N, C), jnp.float32),
    )(pf, XT, Wres3)



def _mesh():
    return plsc.VectorSubcoreMesh(
        core_axis_name="c", subcore_axis_name="s", num_cores=NC, num_subcores=NS
    )


@functools.partial(jax.jit, static_argnames=("N_ACC", "heads"))
def _attn_stats(src, dst, elT, erT, *, N_ACC, heads):
    E_pad = src.shape[0]
    M = E_pad // NW
    nblk = M // EB

    @functools.partial(
        pl.kernel,
        out_type=[
            jax.ShapeDtypeStruct((heads * E_pad,), jnp.float32),
            jax.ShapeDtypeStruct((NW, heads * N_ACC), jnp.float32),
        ],
        mesh=_mesh(),
        scratch_types=[
            pltpu.VMEM((N_ACC,), jnp.float32),
            pltpu.VMEM((N_ACC,), jnp.float32),
            pltpu.VMEM((heads * N_ACC,), jnp.float32),
            pltpu.VMEM((2, EB), jnp.int32),
            pltpu.VMEM((2, EB), jnp.int32),
            pltpu.VMEM((2, EB), jnp.float32),
            pltpu.SemaphoreType.DMA,
            pltpu.SemaphoreType.DMA,
            pltpu.SemaphoreType.DMA,
            pltpu.SemaphoreType.DMA,
        ],
        **_SC_PARAMS,
    )
    def k(src_h, dst_h, el_h, er_h, exT_h, sp_h, elv, erv, sv, srcb, dstb,
          exb, ls0, ls1, ws0, ws1):
        lsem = (ls0, ls1)
        wsem = (ws0, ws1)
        c = lax.axis_index("c")
        s = lax.axis_index("s")
        wid = s * NC + c
        base0 = wid * M

        @pl.loop(0, heads * N_ACC // L)
        def _zero(i):
            sv[pl.ds(i * L, L)] = jnp.zeros((L,), jnp.float32)

        for h in range(heads):
            pltpu.sync_copy(el_h.at[pl.ds(h * N_ACC, N_ACC)], elv)
            pltpu.sync_copy(er_h.at[pl.ds(h * N_ACC, N_ACC)], erv)

            def loads(t, k_):
                base = base0 + k_ * EB
                pltpu.async_copy(src_h.at[pl.ds(base, EB)],
                                 srcb.at[t], lsem[t])
                pltpu.async_copy(dst_h.at[pl.ds(base, EB)],
                                 dstb.at[t], lsem[t])

            def wait_loads(t):
                pltpu.make_async_copy(
                    src_h.at[pl.ds(0, EB)], srcb.at[t], lsem[t]).wait()
                pltpu.make_async_copy(
                    dst_h.at[pl.ds(0, EB)], dstb.at[t], lsem[t]).wait()

            loads(0, 0)

            @pl.loop(0, nblk, step=2)
            def _blk(b):
                for t in range(2):
                    k_ = b + t
                    wait_loads(t)
                    @pl.when(k_ >= 2)
                    def _drain():
                        pltpu.make_async_copy(
                            exb.at[t], exT_h.at[pl.ds(0, EB)], wsem[t]).wait()

                    @pl.when(k_ + 1 < nblk)
                    def _pref():
                        loads(1 - t, k_ + 1)

                    for j in range(EB // L):
                        sc_ = srcb[t, pl.ds(j * L, L)]
                        dc_ = dstb[t, pl.ds(j * L, L)]
                        e = (plsc.load_gather(elv, [sc_])
                             + plsc.load_gather(erv, [dc_]))
                        e = jnp.maximum(e, NEG_SLOPE * e)
                        ex = jnp.exp(e)
                        exb[t, pl.ds(j * L, L)] = ex
                        plsc.addupdate_scatter(sv, [dc_ + (h * N_ACC)], ex)
                    g_ = wid * nblk + k_
                    pltpu.async_copy(
                        exb.at[t], exT_h.at[pl.ds((g_ * heads + h) * EB, EB)],
                        wsem[t])

            for t in range(2):
                pltpu.make_async_copy(
                    exb.at[t], exT_h.at[pl.ds(0, EB)], wsem[t]).wait()

        pltpu.sync_copy(sv, sp_h.at[wid])

    return k(src, dst, elT, erT)


@functools.partial(jax.jit, static_argnames=("N_ACC", "heads", "blend"))
def _attn_norm(dst, exT, invs, a0T=None, *, N_ACC, heads, blend=False):
    E_pad = dst.shape[0]
    M = E_pad // NW
    nblk = M // EB

    HB = heads * EB

    @functools.partial(
        pl.kernel,
        out_type=jax.ShapeDtypeStruct((heads * E_pad,), jnp.float32),
        mesh=_mesh(),
        scratch_types=[
            pltpu.VMEM((heads, N_ACC), jnp.float32),
            pltpu.VMEM((2, EB), jnp.int32),
            pltpu.VMEM((2, HB), jnp.float32),
            pltpu.VMEM((2, HB), jnp.float32),
            pltpu.VMEM((2, HB), jnp.float32),
            pltpu.SemaphoreType.DMA,
            pltpu.SemaphoreType.DMA,
            pltpu.SemaphoreType.DMA,
            pltpu.SemaphoreType.DMA,
        ],
        **_SC_PARAMS,
    )
    def k(*refs):
        if blend:
            (dst_h, exT_h, invs_h, a0T_h) = refs[:4]
            (aT_h, invs_v, dstb, exb, a0b, ab, ls0, ls1, ws0, ws1) = refs[4:]
        else:
            (dst_h, exT_h, invs_h) = refs[:3]
            (aT_h, invs_v, dstb, exb, a0b, ab, ls0, ls1, ws0, ws1) = refs[3:]
            a0T_h = None
        lsem = (ls0, ls1)
        wsem = (ws0, ws1)
        c = lax.axis_index("c")
        s = lax.axis_index("s")
        wid = s * NC + c
        g0_ = wid * nblk

        for h in range(heads):
            pltpu.sync_copy(invs_h.at[pl.ds(h * N_ACC, N_ACC)],
                            invs_v.at[h])

        def loads(t, k_):
            pltpu.async_copy(dst_h.at[pl.ds((g0_ + k_) * EB, EB)],
                             dstb.at[t], lsem[t])
            pltpu.async_copy(exT_h.at[pl.ds((g0_ + k_) * HB, HB)],
                             exb.at[t], lsem[t])
            if blend:
                pltpu.async_copy(a0T_h.at[pl.ds((g0_ + k_) * HB, HB)],
                                 a0b.at[t], lsem[t])

        def wait_loads(t):
            pltpu.make_async_copy(
                dst_h.at[pl.ds(0, EB)], dstb.at[t], lsem[t]).wait()
            pltpu.make_async_copy(
                exT_h.at[pl.ds(0, HB)], exb.at[t], lsem[t]).wait()
            if blend:
                pltpu.make_async_copy(
                    a0T_h.at[pl.ds(0, HB)], a0b.at[t], lsem[t]).wait()

        loads(0, 0)

        @pl.loop(0, nblk, step=2)
        def _blk(b):
            for t in range(2):
                k_ = b + t
                wait_loads(t)
                @pl.when(k_ >= 2)
                def _drain():
                    pltpu.make_async_copy(
                        ab.at[t], aT_h.at[pl.ds(0, HB)], wsem[t]).wait()

                @pl.when(k_ + 1 < nblk)
                def _pref():
                    loads(1 - t, k_ + 1)

                for j in range(EB // L):
                    dc_ = dstb[t, pl.ds(j * L, L)]
                    for h in range(heads):
                        iv = plsc.load_gather(
                            invs_v, [jnp.full((L,), h, jnp.int32), dc_])
                        a = exb[t, pl.ds(h * EB + j * L, L)] * iv
                        if blend:
                            a = (a * (1.0 - ALPHA)
                                 + ALPHA * a0b[t, pl.ds(h * EB + j * L, L)])
                        ab[t, pl.ds(h * EB + j * L, L)] = a
                pltpu.async_copy(ab.at[t],
                                 aT_h.at[pl.ds((g0_ + k_) * HB, HB)],
                                 wsem[t])

        for t in range(2):
            pltpu.make_async_copy(
                ab.at[t], aT_h.at[pl.ds(0, HB)], wsem[t]).wait()

    args = (dst, exT, invs) + ((a0T,) if blend else ())
    return k(*args)


@functools.partial(jax.jit, static_argnames=("N_ACC", "heads", "D"))
def _msg_pass(src, dst, aT, featflat, *, N_ACC, heads, D):
    E_pad = src.shape[0]
    M = E_pad // NW
    nblk = M // EB
    rpt = N_ACC // NS
    HP = 2 if heads == 8 else 1
    NP = heads // HP
    Dp = HP * D

    scratch = [
        pltpu.VMEM_SHARED((N_ACC, Dp), jnp.float32),
        pltpu.VMEM((2, EB), jnp.int32),
        pltpu.VMEM((2, EB), jnp.int32),
        pltpu.VMEM((2, EB), jnp.int32),
        pltpu.VMEM((2, EB), jnp.int32),
        pltpu.VMEM((2, HP * EB), jnp.float32),
        pltpu.VMEM((2, EB, Dp), jnp.float32),
        pltpu.VMEM((32, Dp), jnp.float32),
        pltpu.SemaphoreType.DMA,
        pltpu.SemaphoreType.DMA,
        pltpu.SemaphoreType.DMA,
        pltpu.SemaphoreType.DMA,
        pltpu.SemaphoreType.DMA,
        pltpu.SemaphoreType.DMA,
    ]

    @functools.partial(
        pl.kernel,
        out_type=jax.ShapeDtypeStruct((NC, NP, N_ACC, Dp), jnp.float32),
        mesh=_mesh(), scratch_types=scratch,
        **_SC_PARAMS,
    )
    def k(src_h, dst_h, aT_h, feat_h, out_h, acc, srcb, dstb, idxb, sdst,
          ab, rows, zv, ls0, ls1, gs0, gs1, ss0, ss1):
        lsem = (ls0, ls1)
        gsem = (gs0, gs1)
        ssem = (ss0, ss1)

        c = lax.axis_index("c")
        s = lax.axis_index("s")
        wid = s * NC + c
        base0 = wid * M

        @pl.loop(0, 32)
        def _zfill(i):
            for j in range(Dp // L):
                zv[i, pl.ds(j * L, L)] = jnp.zeros((L,), jnp.float32)

        for p in range(NP):
            off = 0
            while off < rpt:
                csz = min(32, rpt - off)
                pltpu.sync_copy(
                    zv.at[pl.ds(0, csz), :],
                    acc.at[pl.ds(s * rpt + off, csz), :],
                )
                off += csz
            plsc.subcore_barrier()

            def loads(t, k_):
                base = base0 + k_ * EB
                pltpu.async_copy(src_h.at[pl.ds(base, EB)],
                                 srcb.at[t], lsem[t])
                pltpu.async_copy(dst_h.at[pl.ds(base, EB)],
                                 dstb.at[t], lsem[t])
                eo = ((wid * nblk + k_) * heads + p * HP) * EB
                pltpu.async_copy(aT_h.at[pl.ds(eo, HP * EB)],
                                 ab.at[t], lsem[t])

            def wait_loads(t):
                pltpu.make_async_copy(
                    src_h.at[pl.ds(0, EB)], srcb.at[t], lsem[t]).wait()
                pltpu.make_async_copy(
                    dst_h.at[pl.ds(0, EB)], dstb.at[t], lsem[t]).wait()
                pltpu.make_async_copy(
                    aT_h.at[pl.ds(0, HP * EB)], ab.at[t], lsem[t]).wait()

            loads(0, 0)

            @pl.loop(0, nblk, step=2)
            def _blk(b):
                for t in range(2):
                    k_ = b + t
                    wait_loads(t)
                    @pl.when(k_ >= 2)
                    def _drain():
                        pltpu.make_async_copy(
                            rows.at[t], acc.at[sdst.at[t]], ssem[t]).wait()
                    if NP > 1:
                        for j in range(EB // L):
                            idxb[t, pl.ds(j * L, L)] = (
                                srcb[t, pl.ds(j * L, L)] + (p * N_ACC)
                            )
                        gref = idxb.at[t]
                    else:
                        gref = srcb.at[t]
                    gd = pltpu.async_copy(feat_h.at[gref], rows.at[t],
                                          gsem[t])

                    @pl.when(k_ + 1 < nblk)
                    def _pref():
                        loads(1 - t, k_ + 1)

                    for j in range(EB // L):
                        sdst[t, pl.ds(j * L, L)] = dstb[t, pl.ds(j * L, L)]
                    gd.wait()

                    rv = rows.at[t]

                    @pl.loop(0, EB, unroll=8)
                    def _scale(bb):
                        for hh in range(HP):
                            av = plsc.load_gather(
                                ab.at[t],
                                [jnp.full((L,), bb, jnp.int32) + (hh * EB)])
                            for j in range(D // L):
                                o = hh * D + j * L
                                rv[bb, pl.ds(o, L)] = rv[bb, pl.ds(o, L)] * av

                    pltpu.async_copy(rows.at[t], acc.at[sdst.at[t]],
                                     ssem[t], add=True)

            for t in range(2):
                pltpu.make_async_copy(
                    rows.at[t], acc.at[sdst.at[t]], ssem[t]).wait()

            plsc.subcore_barrier()
            pltpu.sync_copy(
                acc.at[pl.ds(s * rpt, rpt), :],
                out_h.at[c, p, pl.ds(s * rpt, rpt), :],
            )
            plsc.subcore_barrier()

    return k(src, dst, aT, featflat)



def _pad_edges(src, dst, n):
    E = src.shape[0]
    E_pad = _pad_up(E, NW * EB * 2)
    pad = E_pad - E
    src_p = jnp.concatenate([src, jnp.zeros((pad,), jnp.int32)])
    dst_p = jnp.concatenate([dst, jnp.full((pad,), n, jnp.int32)])
    return src_p, dst_p


def _gat_layer1(featp, elf, erf, src, dst, n, N_ACC):
    src_p, dst_p = _pad_edges(src, dst, n)
    exT, s_parts = _attn_stats(src_p, dst_p, elf, erf, N_ACC=N_ACC, heads=1)
    invs = _combine_inv(s_parts).reshape(-1)
    aT = _attn_norm(dst_p, exT, invs, N_ACC=N_ACC, heads=1)
    return _msg_pass(src_p, dst_p, aT, featp,
                     N_ACC=N_ACC, heads=1, D=featp.shape[1])


def kernel(features_0, features_1, features_2, W_fc0, b_fc0, W_fc1, b_fc1,
           W_fc2, b_fc2, Wp0, alp0, arp0, Wp1, alp1, arp1, Wg0, al0, ar0,
           Wg1, al1, ar1, Wgf, alf, arf, Wres, hg0_src, hg0_dst, hg1_src,
           hg1_dst, g_src, g_dst):
    H = 64
    heads = 8
    n = 10000
    NA0 = _pad_up(5000 + 1, 128)
    NA1 = _pad_up(8000 + 1, 128)
    NAg = _pad_up(n + 1, 128)

    h0 = _fc(features_0, W_fc0, b_fc0)
    h1_ = _fc(features_1, W_fc1, b_fc1)
    h2_ = _fc(features_2, W_fc2, b_fc2)

    feat, el, er = _proj_attn1(_padrows(h0, NA0), Wp0, alp0, arp0)
    p = _gat_layer1(feat, el.reshape(-1), er.reshape(-1),
                    hg0_src, hg0_dst, 5000, NA0)
    h0n = _resid1(p[:, 0, :5000], h0)

    hcat = jnp.concatenate([h0n, h1_], axis=0)
    feat, el, er = _proj_attn1(_padrows(hcat, NA1), Wp1, alp1, arp1)
    p = _gat_layer1(feat, el.reshape(-1), er.reshape(-1),
                    hg1_src, hg1_dst, 8000, NA1)
    h1n = _resid1(p[:, 0, 5000:8000], h1_)

    hfp = _padrows(jnp.concatenate([h0n, h1n, h2_], axis=0), NAg)
    src_p, dst_p = _pad_edges(g_src, g_dst, n)

    NP = heads // 2
    Dp = 2 * H
    W3T = jnp.transpose(Wg0.reshape(H, heads, H), (1, 0, 2))
    W5 = jnp.transpose(Wg0.reshape(H, NP, 2, H), (1, 0, 2, 3)).reshape(
        NP, H, Dp)
    featP = _proj_heads(hfp, W5)
    el, er = _attn_logitsP(hfp, W3T, al0, ar0)
    elT, erT = _transpose8(el), _transpose8(er)
    exT, s_parts = _attn_stats(src_p, dst_p, elT.reshape(-1), erT.reshape(-1),
                               N_ACC=NAg, heads=heads)
    invs = _combine_inv(s_parts).reshape(-1)
    a0T = _attn_norm(dst_p, exT, invs, N_ACC=NAg, heads=heads)
    parts = _msg_pass(src_p, dst_p, a0T, featP.reshape(NP * NAg, Dp),
                      N_ACC=NAg, heads=heads, D=H)
    h1g = _combine_relu(parts, n)

    W6 = jnp.transpose(
        Wg1.reshape(NP, 2, H, NP, 2, H), (3, 0, 1, 2, 4, 5)
    ).reshape(NP, NP, Dp, Dp)
    W7 = Wg1.reshape(NP, Dp, heads, H)
    featP = _proj_heads_T(h1g, W6)
    el, er = _attn_logits_TP(h1g, W7, al1, ar1)
    elT, erT = _transpose8(el), _transpose8(er)
    exT, s_parts = _attn_stats(src_p, dst_p, elT.reshape(-1), erT.reshape(-1),
                               N_ACC=NAg, heads=heads)
    invs = _combine_inv(s_parts).reshape(-1)
    aT1 = _attn_norm(dst_p, exT, invs, a0T, N_ACC=NAg, heads=heads,
                     blend=True)
    parts = _msg_pass(src_p, dst_p, aT1, featP.reshape(NP * NAg, Dp),
                      N_ACC=NAg, heads=heads, D=H)
    h2g = _combine_relu(parts, n, h1g)

    C = Wgf.shape[1]
    featf, el, er = _proj_attn1_T(h2g, Wgf.reshape(NP, Dp, C), alf, arf)
    exT, s_parts = _attn_stats(src_p, dst_p, el.reshape(-1), er.reshape(-1),
                               N_ACC=NAg, heads=1)
    invs = _combine_inv(s_parts).reshape(-1)
    aTf = _attn_norm(dst_p, exT, invs, N_ACC=NAg, heads=1)
    partsf = _msg_pass(src_p, dst_p, aTf, featf, N_ACC=NAg, heads=1, D=C)
    out = _final(partsf[:, 0], h2g, Wres.reshape(NP, Dp, C))
    return out[:n]

# --- scband reference (transcript-rebuilt; emitter-appended) ---
"""Pipeline reference for scband-my-gat-5351529251342 (READ-ONLY COPY).

The authoritative reference and input builder live on the scoring server;
editing this copy changes nothing except your own understanding.
"""

import jax, jax.numpy as jnp
import numpy as np

def _edge_softmax(e, dst, n):
    m = jax.ops.segment_max(e, dst, num_segments=n)
    m = jnp.where(jnp.isfinite(m), m, 0.0)
    m = jax.lax.stop_gradient(m)
    ex = jnp.exp(e - m[dst])
    s = jax.ops.segment_sum(ex, dst, num_segments=n)
    return ex / (s[dst] + 1e-12)

def _gat(feat, src, dst, n, al, ar, res_attn=None, alpha=0.0):
    el = jnp.sum(feat * al[None, :, :], axis=-1)
    er = jnp.sum(feat * ar[None, :, :], axis=-1)
    e = jax.nn.leaky_relu(el[src] + er[dst], negative_slope=0.2)
    a = _edge_softmax(e, dst, n)
    if res_attn is not None:
        a = a * (1.0 - alpha) + res_attn * alpha
    msg = feat[src] * a[:, :, None]
    rst = jax.ops.segment_sum(msg, dst, num_segments=n)
    return rst, a

def _forward(features_0, features_1, features_2, W_fc0, b_fc0, W_fc1, b_fc1, W_fc2, b_fc2, Wp0, alp0, arp0, Wp1, alp1, arp1, Wg0, al0, ar0, Wg1, al1, ar1, Wgf, alf, arf, Wres, hg0_src, hg0_dst, hg1_src, hg1_dst, g_src, g_dst):
    N = [5000, 3000, 2000]
    H = 64
    heads = 8
    alpha = 0.05
    h = [features_0 @ W_fc0 + b_fc0, features_1 @ W_fc1 + b_fc1, features_2 @ W_fc2 + b_fc2]
    select = [0, 1]
    hgs = [(hg0_src, hg0_dst, 5000, Wp0, alp0, arp0), (hg1_src, hg1_dst, 8000, Wp1, alp1, arp1)]
    for i in range(2):
        s = select[i]
        src, dst, n, Wp, alp, arp = hgs[i]
        hcat = jnp.concatenate(h[:s + 1], axis=0)
        feat = (hcat @ Wp).reshape(n, 1, H)
        rst, _ = _gat(feat, src, dst, n, alp, arp)
        rst = rst + hcat.reshape(n, 1, H)
        hcat = rst.reshape(n, H)
        offs = np.concatenate([[0], np.cumsum(N[:s + 1])])
        parts = [hcat[int(offs[j]):int(offs[j + 1])] for j in range(s + 1)]
        h = list(h)
        h[s] = parts[s]
    hfull = jnp.concatenate(h, axis=0)
    n = 10000
    feat = (hfull @ Wg0).reshape(n, heads, H)
    rst, attn = _gat(feat, g_src, g_dst, n, al0, ar0)
    h1 = jax.nn.relu(rst).reshape(n, heads * H)
    feat = (h1 @ Wg1).reshape(n, heads, H)
    rst, attn = _gat(feat, g_src, g_dst, n, al1, ar1, res_attn=attn, alpha=alpha)
    rst = rst + h1.reshape(n, heads, H)
    h2 = jax.nn.relu(rst).reshape(n, heads * H)
    feat = (h2 @ Wgf).reshape(n, 1, 16)
    rst, _ = _gat(feat, g_src, g_dst, n, alf, arf)
    rst = rst + (h2 @ Wres).reshape(n, 1, 16)
    logits = jnp.mean(rst, axis=1)
    norm = jnp.linalg.norm(logits, axis=1, keepdims=True)
    return logits / jnp.maximum(norm, 1e-12)

def setup_inputs(seed: int = 0):
    key = jax.random.key(seed)
    ks = jax.random.split(key, 40)
    d = 128
    H = 64
    heads = 8
    C = 16
    deg = 32
    inp = {}
    inp['features_0'] = jax.random.normal(ks[0], (5000, d), jnp.float32)
    inp['features_1'] = jax.random.normal(ks[1], (3000, d), jnp.float32)
    inp['features_2'] = jax.random.normal(ks[2], (2000, d), jnp.float32)
    for i in range(3):
        inp['W_fc%d' % i] = jax.random.normal(ks[3 + i], (d, H), jnp.float32) * 0.08
        inp['b_fc%d' % i] = jnp.zeros((H,), jnp.float32)
    for i in range(2):
        inp['Wp%d' % i] = jax.random.normal(ks[6 + i], (H, H), jnp.float32) * 0.1
        inp['alp%d' % i] = jax.random.normal(ks[8 + i], (1, H), jnp.float32) * 0.1
        inp['arp%d' % i] = jax.random.normal(ks[10 + i], (1, H), jnp.float32) * 0.1
    inp['Wg0'] = jax.random.normal(ks[12], (H, heads * H), jnp.float32) * 0.1
    inp['al0'] = jax.random.normal(ks[13], (heads, H), jnp.float32) * 0.1
    inp['ar0'] = jax.random.normal(ks[14], (heads, H), jnp.float32) * 0.1
    inp['Wg1'] = jax.random.normal(ks[15], (heads * H, heads * H), jnp.float32) * 0.04
    inp['al1'] = jax.random.normal(ks[16], (heads, H), jnp.float32) * 0.1
    inp['ar1'] = jax.random.normal(ks[17], (heads, H), jnp.float32) * 0.1
    inp['Wgf'] = jax.random.normal(ks[18], (heads * H, C), jnp.float32) * 0.04
    inp['alf'] = jax.random.normal(ks[19], (1, C), jnp.float32) * 0.1
    inp['arf'] = jax.random.normal(ks[20], (1, C), jnp.float32) * 0.1
    inp['Wres'] = jax.random.normal(ks[21], (heads * H, C), jnp.float32) * 0.04
    inp['hg0_src'] = jax.random.randint(ks[22], (5000 * deg,), 0, 5000, jnp.int32)
    inp['hg0_dst'] = jax.random.randint(ks[23], (5000 * deg,), 0, 5000, jnp.int32)
    inp['hg1_src'] = jax.random.randint(ks[24], (8000 * deg,), 0, 8000, jnp.int32)
    inp['hg1_dst'] = jax.random.randint(ks[25], (8000 * deg,), 0, 8000, jnp.int32)
    inp['g_src'] = jax.random.randint(ks[26], (10000 * deg,), 0, 10000, jnp.int32)
    inp['g_dst'] = jax.random.randint(ks[27], (10000 * deg,), 0, 10000, jnp.int32)
    return inp

def reference(features_0, features_1, features_2, W_fc0, b_fc0, W_fc1, b_fc1, W_fc2, b_fc2, Wp0, alp0, arp0, Wp1, alp1, arp1, Wg0, al0, ar0, Wg1, al1, ar1, Wgf, alf, arf, Wres, hg0_src, hg0_dst, hg1_src, hg1_dst, g_src, g_dst):
    return _forward(features_0, features_1, features_2, W_fc0, b_fc0, W_fc1, b_fc1, W_fc2, b_fc2, Wp0, alp0, arp0, Wp1, alp1, arp1, Wg0, al0, ar0, Wg1, al1, ar1, Wgf, alf, arf, Wres, hg0_src, hg0_dst, hg1_src, hg1_dst, g_src, g_dst)

if __name__ == "__main__":
    import jax
    _d = setup_inputs()
    print(jax.jit(kernel)(*tuple(_d.values())))

</pallas_src>

<mosaic_0001>
#map = affine_map<(d0, d1) -> (0)>
#map1 = affine_map<(d0, d1) -> (0, 0)>
module attributes {stable_mosaic.version = 14 : i64} {
  func.func @k(%arg0: i32, %arg1: i32, %arg2: memref<163840xi32, #tpu.memory_space<hbm>>, %arg3: memref<163840xi32, #tpu.memory_space<hbm>>, %arg4: memref<5120xf32, #tpu.memory_space<hbm>>, %arg5: memref<5120xf32, #tpu.memory_space<hbm>>, %arg6: memref<163840xf32, #tpu.memory_space<hbm>>, %arg7: memref<32x5120xf32, #tpu.memory_space<hbm>>, %arg8: memref<5120xf32, #tpu.memory_space<vmem>>, %arg9: memref<5120xf32, #tpu.memory_space<vmem>>, %arg10: memref<5120xf32, #tpu.memory_space<vmem>>, %arg11: memref<2x128xi32, #tpu.memory_space<vmem>>, %arg12: memref<2x128xi32, #tpu.memory_space<vmem>>, %arg13: memref<2x128xf32, #tpu.memory_space<vmem>>, %arg14: memref<!tpu.dma_semaphore, #tpu.memory_space<semaphore_mem>>, %arg15: memref<!tpu.dma_semaphore, #tpu.memory_space<semaphore_mem>>, %arg16: memref<!tpu.dma_semaphore, #tpu.memory_space<semaphore_mem>>, %arg17: memref<!tpu.dma_semaphore, #tpu.memory_space<semaphore_mem>>) attributes {dimension_semantics = [#tpu.dimension_semantics<core_parallel>, #tpu.dimension_semantics<subcore_parallel>], iteration_bounds = array<i64: 2, 16>, scalar_prefetch = 0 : i64, scratch_operands = 10 : i64, tpu.core_type = #tpu.core_type<sc_vector_subcore>, window_params = [{transform_indices = #map}, {transform_indices = #map}, {transform_indices = #map}, {transform_indices = #map}, {transform_indices = #map}, {transform_indices = #map1}]} {
    %mul3A = arith.constant 2 : i32
    %mul3A_0 = arith.muli %arg1, %mul3A : i32
    %add3A = arith.addi %mul3A_0, %arg0 : i32
    %mul3A_1 = arith.constant 5120 : i32
    %mul3A_2 = arith.muli %add3A, %mul3A_1 : i32
    %scan3A = arith.constant 0 : i32
    %scan3A_3 = arith.constant 320 : i32
    %scan3A_4 = arith.addi %scan3A, %scan3A_3 : i32
    %scan3A_5 = arith.constant 1 : i32
    scf.for %scan3A_52 = %scan3A to %scan3A_4 step %scan3A_5  : i32 {
      %mul3A_53 = arith.constant 1 : i32
      %mul3A_54 = arith.muli %scan3A_52, %mul3A_53 : i32
      %add3A_55 = arith.constant 0 : i32
      %add3A_56 = arith.addi %add3A_55, %mul3A_54 : i32
      %broadcast_in_dim3A = arith.constant 0.000000e+00 : f32
      %broadcast_in_dim3A_57 = vector.broadcast %broadcast_in_dim3A : f32 to vector<16xf32>
      %mul3A_58 = arith.constant 16 : i32
      %mul3A_59 = arith.muli %add3A_56, %mul3A_58 : i32
      %swap3A = arith.index_cast %mul3A_59 : i32 to index
      %swap3A_60 = tpu.vector_load %arg10[%swap3A] {strides = array<i32>} : memref<5120xf32, #tpu.memory_space<vmem>>, vector<16xf32>,
      tpu.vector_store %arg10[%swap3A], %broadcast_in_dim3A_57 {strides = array<i32>} : memref<5120xf32, #tpu.memory_space<vmem>>, vector<16xf32>,
    }
    %scan3A_6 = arith.constant 320 : i32
    "tpu.region"() ({
      %run_scoped3A = tpu.sem_alloc : memref<!tpu.dma_semaphore, #tpu.memory_space<semaphore_mem>>
      %dma_start3A_52 = arith.constant 0 : i32
      %dma_start3A_53 = tpu.memref_slice %arg4[%dma_start3A_52] : memref<5120xf32, #tpu.memory_space<hbm>> -> memref<5120xf32, #tpu.memory_space<hbm>>
      %dma_start3A_54 = arith.constant 0 : i32
      %dma_start3A_55 = tpu.memref_slice %arg4[%dma_start3A_54] : memref<5120xf32, #tpu.memory_space<hbm>> -> memref<5120xf32, #tpu.memory_space<hbm>>
      tpu.enqueue_dma source(%dma_start3A_55 : memref<5120xf32, #tpu.memory_space<hbm>>) target(%arg8 : memref<5120xf32, #tpu.memory_space<vmem>>) target_semaphore(%run_scoped3A : memref<!tpu.dma_semaphore, #tpu.memory_space<semaphore_mem>>)
      %dma_wait3A_56 = arith.constant 0 : i32
      %dma_wait3A_57 = tpu.memref_slice %arg4[%dma_wait3A_56] : memref<5120xf32, #tpu.memory_space<hbm>> -> memref<5120xf32, #tpu.memory_space<hbm>>
      %dma_wait3A_58 = arith.constant 0 : i32
      %dma_wait3A_59 = tpu.memref_slice %arg4[%dma_wait3A_58] : memref<5120xf32, #tpu.memory_space<hbm>> -> memref<5120xf32, #tpu.memory_space<hbm>>
      tpu.wait_dma2 semaphore(%run_scoped3A : memref<!tpu.dma_semaphore, #tpu.memory_space<semaphore_mem>>) src(%dma_wait3A_59 : memref<5120xf32, #tpu.memory_space<hbm>>) dst(%arg8 : memref<5120xf32, #tpu.memory_space<vmem>>)
      tpu.yield
    }) : () -> ()
    "tpu.region"() ({
      %run_scoped3A = tpu.sem_alloc : memref<!tpu.dma_semaphore, #tpu.memory_space<semaphore_mem>>
      %dma_start3A_52 = arith.constant 0 : i32
      %dma_start3A_53 = tpu.memref_slice %arg5[%dma_start3A_52] : memref<5120xf32, #tpu.memory_space<hbm>> -> memref<5120xf32, #tpu.memory_space<hbm>>
      %dma_start3A_54 = arith.constant 0 : i32
      %dma_start3A_55 = tpu.memref_slice %arg5[%dma_start3A_54] : memref<5120xf32, #tpu.memory_space<hbm>> -> memref<5120xf32, #tpu.memory_space<hbm>>
      tpu.enqueue_dma source(%dma_start3A_55 : memref<5120xf32, #tpu.memory_space<hbm>>) target(%arg9 : memref<5120xf32, #tpu.memory_space<vmem>>) target_semaphore(%run_scoped3A : memref<!tpu.dma_semaphore, #tpu.memory_space<semaphore_mem>>)
      %dma_wait3A_56 = arith.constant 0 : i32
      %dma_wait3A_57 = tpu.memref_slice %arg5[%dma_wait3A_56] : memref<5120xf32, #tpu.memory_space<hbm>> -> memref<5120xf32, #tpu.memory_space<hbm>>
      %dma_wait3A_58 = arith.constant 0 : i32
      %dma_wait3A_59 = tpu.memref_slice %arg5[%dma_wait3A_58] : memref<5120xf32, #tpu.memory_space<hbm>> -> memref<5120xf32, #tpu.memory_space<hbm>>
      tpu.wait_dma2 semaphore(%run_scoped3A : memref<!tpu.dma_semaphore, #tpu.memory_space<semaphore_mem>>) src(%dma_wait3A_59 : memref<5120xf32, #tpu.memory_space<hbm>>) dst(%arg9 : memref<5120xf32, #tpu.memory_space<vmem>>)
      tpu.yield
    }) : () -> ()
    %add3A_7 = arith.constant 0 : i32
    %add3A_8 = arith.addi %mul3A_2, %add3A_7 : i32
    %dma_start3A = arith.constant 0 : i32
    %dma_start3A_9 = arith.constant 0 : i32
    %dma_start3A_10 = tpu.memref_slice %arg11[%dma_start3A, %dma_start3A_9] : memref<2x128xi32, #tpu.memory_space<vmem>> -> memref<1x128xi32, #tpu.memory_space<vmem>>
    %dma_start3A_11 = tpu.memref_squeeze %dma_start3A_10 : memref<1x128xi32, #tpu.memory_space<vmem>> -> memref<128xi32, #tpu.memory_space<vmem>>
    %dma_start3A_12 = tpu.memref_slice %arg2[%add3A_8] : memref<163840xi32, #tpu.memory_space<hbm>> -> memref<128xi32, #tpu.memory_space<hbm>>
    %dma_start3A_13 = arith.constant 0 : i32
    %dma_start3A_14 = tpu.memref_slice %arg11[%dma_start3A, %dma_start3A_13] : memref<2x128xi32, #tpu.memory_space<vmem>> -> memref<1x128xi32, #tpu.memory_space<vmem>>
    %dma_start3A_15 = tpu.memref_squeeze %dma_start3A_14 : memref<1x128xi32, #tpu.memory_space<vmem>> -> memref<128xi32, #tpu.memory_space<vmem>>
    %dma_start3A_16 = tpu.memref_slice %arg2[%add3A_8] : memref<163840xi32, #tpu.memory_space<hbm>> -> memref<128xi32, #tpu.memory_space<hbm>>
    tpu.enqueue_dma source(%dma_start3A_16 : memref<128xi32, #tpu.memory_space<hbm>>) target(%dma_start3A_15 : memref<128xi32, #tpu.memory_space<vmem>>) target_semaphore(%arg14 : memref<!tpu.dma_semaphore, #tpu.memory_space<semaphore_mem>>)
    %dma_start3A_17 = arith.constant 0 : i32
    %dma_start3A_18 = arith.constant 0 : i32
    %dma_start3A_19 = tpu.memref_slice %arg12[%dma_start3A_17, %dma_start3A_18] : memref<2x128xi32, #tpu.memory_space<vmem>> -> memref<1x128xi32, #tpu.memory_space<vmem>>
    %dma_start3A_20 = tpu.memref_squeeze %dma_start3A_19 : memref<1x128xi32, #tpu.memory_space<vmem>> -> memref<128xi32, #tpu.memory_space<vmem>>
    %dma_start3A_21 = tpu.memref_slice %arg3[%add3A_8] : memref<163840xi32, #tpu.memory_space<hbm>> -> memref<128xi32, #tpu.memory_space<hbm>>
    %dma_start3A_22 = arith.constant 0 : i32
    %dma_start3A_23 = tpu.memref_slice %arg12[%dma_start3A_17, %dma_start3A_22] : memref<2x128xi32, #tpu.memory_space<vmem>> -> memref<1x128xi32, #tpu.memory_space<vmem>>
    %dma_start3A_24 = tpu.memref_squeeze %dma_start3A_23 : memref<1x128xi32, #tpu.memory_space<vmem>> -> memref<128xi32, #tpu.memory_space<vmem>>
    %dma_start3A_25 = tpu.memref_slice %arg3[%add3A_8] : memref<163840xi32, #tpu.memory_space<hbm>> -> memref<128xi32, #tpu.memory_space<hbm>>
    tpu.enqueue_dma source(%dma_start3A_25 : memref<128xi32, #tpu.memory_space<hbm>>) target(%dma_start3A_24 : memref<128xi32, #tpu.memory_space<vmem>>) target_semaphore(%arg14 : memref<!tpu.dma_semaphore, #tpu.memory_space<semaphore_mem>>)
    %scan3A_26 = arith.constant 0 : i32
    %scan3A_27 = arith.constant 20 : i32
    %scan3A_28 = arith.addi %scan3A_26, %scan3A_27 : i32
    %scan3A_29 = arith.constant 1 : i32
    scf.for %scan3A_52 = %scan3A_26 to %scan3A_28 step %scan3A_29  : i32 {
      %mul3A_53 = arith.constant 2 : i32
      %mul3A_54 = arith.muli %scan3A_52, %mul3A_53 : i32
      %add3A_55 = arith.constant 0 : i32
      %add3A_56 = arith.addi %add3A_55, %mul3A_54 : i32
      %add3A_57 = arith.constant 0 : i32
      %add3A_58 = arith.addi %add3A_56, %add3A_57 : i32
      %dma_wait3A_59 = arith.constant 0 : i32
      %dma_wait3A_60 = arith.constant 0 : i32
      %dma_wait3A_61 = tpu.memref_slice %arg11[%dma_wait3A_59, %dma_wait3A_60] : memref<2x128xi32, #tpu.memory_space<vmem>> -> memref<1x128xi32, #tpu.memory_space<vmem>>
      %dma_wait3A_62 = tpu.memref_squeeze %dma_wait3A_61 : memref<1x128xi32, #tpu.memory_space<vmem>> -> memref<128xi32, #tpu.memory_space<vmem>>
      %dma_wait3A_63 = arith.constant 0 : i32
      %dma_wait3A_64 = tpu.memref_slice %arg2[%dma_wait3A_63] : memref<163840xi32, #tpu.memory_space<hbm>> -> memref<128xi32, #tpu.memory_space<hbm>>
      %dma_wait3A_65 = arith.constant 0 : i32
      %dma_wait3A_66 = tpu.memref_slice %arg11[%dma_wait3A_59, %dma_wait3A_65] : memref<2x128xi32, #tpu.memory_space<vmem>> -> memref<1x128xi32, #tpu.memory_space<vmem>>
      %dma_wait3A_67 = tpu.memref_squeeze %dma_wait3A_66 : memref<1x128xi32, #tpu.memory_space<vmem>> -> memref<128xi32, #tpu.memory_space<vmem>>
      %dma_wait3A_68 = arith.constant 0 : i32
      %dma_wait3A_69 = tpu.memref_slice %arg2[%dma_wait3A_68] : memref<163840xi32, #tpu.memory_space<hbm>> -> memref<128xi32, #tpu.memory_space<hbm>>
      tpu.wait_dma2 semaphore(%arg14 : memref<!tpu.dma_semaphore, #tpu.memory_space<semaphore_mem>>) src(%dma_wait3A_69 : memref<128xi32, #tpu.memory_space<hbm>>) dst(%dma_wait3A_67 : memref<128xi32, #tpu.memory_space<vmem>>)
      %dma_wait3A_70 = arith.constant 0 : i32
      %dma_wait3A_71 = arith.constant 0 : i32
      %dma_wait3A_72 = tpu.memref_slice %arg12[%dma_wait3A_70, %dma_wait3A_71] : memref<2x128xi32, #tpu.memory_space<vmem>> -> memref<1x128xi32, #tpu.memory_space<vmem>>
      %dma_wait3A_73 = tpu.memref_squeeze %dma_wait3A_72 : memref<1x128xi32, #tpu.memory_space<vmem>> -> memref<128xi32, #tpu.memory_space<vmem>>
      %dma_wait3A_74 = arith.constant 0 : i32
      %dma_wait3A_75 = tpu.memref_slice %arg3[%dma_wait3A_74] : memref<163840xi32, #tpu.memory_space<hbm>> -> memref<128xi32, #tpu.memory_space<hbm>>
      %dma_wait3A_76 = arith.constant 0 : i32
      %dma_wait3A_77 = tpu.memref_slice %arg12[%dma_wait3A_70, %dma_wait3A_76] : memref<2x128xi32, #tpu.memory_space<vmem>> -> memref<1x128xi32, #tpu.memory_space<vmem>>
      %dma_wait3A_78 = tpu.memref_squeeze %dma_wait3A_77 : memref<1x128xi32, #tpu.memory_space<vmem>> -> memref<128xi32, #tpu.memory_space<vmem>>
      %dma_wait3A_79 = arith.constant 0 : i32
      %dma_wait3A_80 = tpu.memref_slice %arg3[%dma_wait3A_79] : memref<163840xi32, #tpu.memory_space<hbm>> -> memref<128xi32, #tpu.memory_space<hbm>>
      tpu.wait_dma2 semaphore(%arg14 : memref<!tpu.dma_semaphore, #tpu.memory_space<semaphore_mem>>) src(%dma_wait3A_80 : memref<128xi32, #tpu.memory_space<hbm>>) dst(%dma_wait3A_78 : memref<128xi32, #tpu.memory_space<vmem>>)
      %ge3A = arith.constant 2 : i32
      %ge3A_81 = arith.cmpi sge, %add3A_58, %ge3A : i32
      %convert_element_type3A = arith.extui %ge3A_81 : i1 to i32
      %cond3A = arith.constant 0 : i32
      %cond3A_82 = arith.cmpi ne, %convert_element_type3A, %cond3A : i32
      scf.if %cond3A_82 {
        %dma_wait3A_524 = arith.constant 0 : i32
        %dma_wait3A_525 = arith.constant 0 : i32
        %dma_wait3A_526 = tpu.memref_slice %arg13[%dma_wait3A_524, %dma_wait3A_525] : memref<2x128xf32, #tpu.memory_space<vmem>> -> memref<1x128xf32, #tpu.memory_space<vmem>>
        %dma_wait3A_527 = tpu.memref_squeeze %dma_wait3A_526 : memref<1x128xf32, #tpu.memory_space<vmem>> -> memref<128xf32, #tpu.memory_space<vmem>>
        %dma_wait3A_528 = arith.constant 0 : i32
        %dma_wait3A_529 = tpu.memref_slice %arg6[%dma_wait3A_528] : memref<163840xf32, #tpu.memory_space<hbm>> -> memref<128xf32, #tpu.memory_space<hbm>>
        %dma_wait3A_530 = arith.constant 0 : i32
        %dma_wait3A_531 = tpu.memref_slice %arg6[%dma_wait3A_530] : memref<163840xf32, #tpu.memory_space<hbm>> -> memref<128xf32, #tpu.memory_space<hbm>>
        %dma_wait3A_532 = arith.constant 0 : i32
        %dma_wait3A_533 = tpu.memref_slice %arg13[%dma_wait3A_524, %dma_wait3A_532] : memref<2x128xf32, #tpu.memory_space<vmem>> -> memref<1x128xf32, #tpu.memory_space<vmem>>
        %dma_wait3A_534 = tpu.memref_squeeze %dma_wait3A_533 : memref<1x128xf32, #tpu.memory_space<vmem>> -> memref<128xf32, #tpu.memory_space<vmem>>
        tpu.wait_dma2 semaphore(%arg16 : memref<!tpu.dma_semaphore, #tpu.memory_space<semaphore_mem>>) src(%dma_wait3A_534 : memref<128xf32, #tpu.memory_space<vmem>>) dst(%dma_wait3A_531 : memref<128xf32, #tpu.memory_space<hbm>>)
      } else {
      }
      %add3A_83 = arith.constant 1 : i32
      %add3A_84 = arith.addi %add3A_58, %add3A_83 : i32
      %lt3A = arith.constant 40 : i32
      %lt3A_85 = arith.cmpi slt, %add3A_84, %lt3A : i32
      %convert_element_type3A_86 = arith.extui %lt3A_85 : i1 to i32
      %cond3A_87 = arith.constant 0 : i32
      %cond3A_88 = arith.cmpi ne, %convert_element_type3A_86, %cond3A_87 : i32
      scf.if %cond3A_88 {
        %add3A_524 = arith.constant 1 : i32
        %add3A_525 = arith.addi %add3A_58, %add3A_524 : i32
        %mul3A_526 = arith.constant 128 : i32
        %mul3A_527 = arith.muli %add3A_525, %mul3A_526 : i32
        %add3A_528 = arith.addi %mul3A_2, %mul3A_527 : i32
        %dma_start3A_529 = arith.constant 1 : i32
        %dma_start3A_530 = arith.constant 0 : i32
        %dma_start3A_531 = tpu.memref_slice %arg11[%dma_start3A_529, %dma_start3A_530] : memref<2x128xi32, #tpu.memory_space<vmem>> -> memref<1x128xi32, #tpu.memory_space<vmem>>
        %dma_start3A_532 = tpu.memref_squeeze %dma_start3A_531 : memref<1x128xi32, #tpu.memory_space<vmem>> -> memref<128xi32, #tpu.memory_space<vmem>>
        %dma_start3A_533 = tpu.memref_slice %arg2[%add3A_528] : memref<163840xi32, #tpu.memory_space<hbm>> -> memref<128xi32, #tpu.memory_space<hbm>>
        %dma_start3A_534 = arith.constant 0 : i32
        %dma_start3A_535 = tpu.memref_slice %arg11[%dma_start3A_529, %dma_start3A_534] : memref<2x128xi32, #tpu.memory_space<vmem>> -> memref<1x128xi32, #tpu.memory_space<vmem>>
        %dma_start3A_536 = tpu.memref_squeeze %dma_start3A_535 : memref<1x128xi32, #tpu.memory_space<vmem>> -> memref<128xi32, #tpu.memory_space<vmem>>
        %dma_start3A_537 = tpu.memref_slice %arg2[%add3A_528] : memref<163840xi32, #tpu.memory_space<hbm>> -> memref<128xi32, #tpu.memory_space<hbm>>
        tpu.enqueue_dma source(%dma_start3A_537 : memref<128xi32, #tpu.memory_space<hbm>>) target(%dma_start3A_536 : memref<128xi32, #tpu.memory_space<vmem>>) target_semaphore(%arg15 : memref<!tpu.dma_semaphore, #tpu.memory_space<semaphore_mem>>)
        %dma_start3A_538 = arith.constant 1 : i32
        %dma_start3A_539 = arith.constant 0 : i32
        %dma_start3A_540 = tpu.memref_slice %arg12[%dma_start3A_538, %dma_start3A_539] : memref<2x128xi32, #tpu.memory_space<vmem>> -> memref<1x128xi32, #tpu.memory_space<vmem>>
        %dma_start3A_541 = tpu.memref_squeeze %dma_start3A_540 : memref<1x128xi32, #tpu.memory_space<vmem>> -> memref<128xi32, #tpu.memory_space<vmem>>
        %dma_start3A_542 = tpu.memref_slice %arg3[%add3A_528] : memref<163840xi32, #tpu.memory_space<hbm>> -> memref<128xi32, #tpu.memory_space<hbm>>
        %dma_start3A_543 = arith.constant 0 : i32
        %dma_start3A_544 = tpu.memref_slice %arg12[%dma_start3A_538, %dma_start3A_543] : memref<2x128xi32, #tpu.memory_space<vmem>> -> memref<1x128xi32, #tpu.memory_space<vmem>>
        %dma_start3A_545 = tpu.memref_squeeze %dma_start3A_544 : memref<1x128xi32, #tpu.memory_space<vmem>> -> memref<128xi32, #tpu.memory_space<vmem>>
        %dma_start3A_546 = tpu.memref_slice %arg3[%add3A_528] : memref<163840xi32, #tpu.memory_space<hbm>> -> memref<128xi32, #tpu.memory_space<hbm>>
        tpu.enqueue_dma source(%dma_start3A_546 : memref<128xi32, #tpu.memory_space<hbm>>) target(%dma_start3A_545 : memref<128xi32, #tpu.memory_space<vmem>>) target_semaphore(%arg15 : memref<!tpu.dma_semaphore, #tpu.memory_space<semaphore_mem>>)
      } else {
      }
      %get3A = arith.constant 0 : i32
      %get3A_89 = arith.index_cast %get3A : i32 to index
      %get3A_90 = arith.constant 0 : index
      %get3A_91 = tpu.vector_load %arg11[%get3A_89, %get3A_90] {strides = array<i32>} : memref<2x128xi32, #tpu.memory_space<vmem>>, vector<16xi32>,
      %get3A_92 = arith.constant 0 : i32
      %get3A_93 = arith.index_cast %get3A_92 : i32 to index
      %get3A_94 = arith.constant 0 : index
      %get3A_95 = tpu.vector_load %arg12[%get3A_93, %get3A_94] {strides = array<i32>} : memref<2x128xi32, #tpu.memory_space<vmem>>, vector<16xi32>,
      %gather3A = tpu.vector_load_idx %arg8[%get3A_91] : memref<5120xf32, #tpu.memory_space<vmem>>[vector<16xi32>], vector<16xf32>,
      %gather3A_96 = tpu.vector_load_idx %arg9[%get3A_95] : memref<5120xf32, #tpu.memory_space<vmem>>[vector<16xi32>], vector<16xf32>,
      %add3A_97 = arith.addf %gather3A, %gather3A_96 : vector<16xf32>
      %mul3A_98 = arith.constant 2.000000e-01 : f32
      %mul3A_99 = vector.broadcast %mul3A_98 : f32 to vector<16xf32>
      %mul3A_100 = arith.mulf %mul3A_99, %add3A_97 : vector<16xf32>
      %max3A = arith.maximumf %add3A_97, %mul3A_100 : vector<16xf32>
      %exp3A = math.exp %max3A : vector<16xf32>
      %swap3A = arith.constant 0 : i32
      %swap3A_101 = arith.index_cast %swap3A : i32 to index
      %swap3A_102 = arith.constant 0 : index
      %swap3A_103 = tpu.vector_load %arg13[%swap3A_101, %swap3A_102] {strides = array<i32>} : memref<2x128xf32, #tpu.memory_space<vmem>>, vector<16xf32>,
      tpu.vector_store %arg13[%swap3A_101, %swap3A_102], %exp3A {strides = array<i32>} : memref<2x128xf32, #tpu.memory_space<vmem>>, vector<16xf32>,
      %add3A_104 = arith.constant 0 : i32
      %add3A_105 = vector.broadcast %add3A_104 : i32 to vector<16xi32>
      %add3A_106 = arith.addi %get3A_95, %add3A_105 : vector<16xi32>
      tpu.vector_store_idx %arg10[%add3A_106], %exp3A {add = true} : memref<5120xf32, #tpu.memory_space<vmem>>[vector<16xi32>], vector<16xf32>,
      %get3A_107 = arith.constant 0 : i32
      %get3A_108 = arith.index_cast %get3A_107 : i32 to index
      %get3A_109 = arith.constant 16 : index
      %get3A_110 = tpu.vector_load %arg11[%get3A_108, %get3A_109] {strides = array<i32>} : memref<2x128xi32, #tpu.memory_space<vmem>>, vector<16xi32>,
      %get3A_111 = arith.constant 0 : i32
      %get3A_112 = arith.index_cast %get3A_111 : i32 to index
      %get3A_113 = arith.constant 16 : index
      %get3A_114 = tpu.vector_load %arg12[%get3A_112, %get3A_113] {strides = array<i32>} : memref<2x128xi32, #tpu.memory_space<vmem>>, vector<16xi32>,
      %gather3A_115 = tpu.vector_load_idx %arg8[%get3A_110] : memref<5120xf32, #tpu.memory_space<vmem>>[vector<16xi32>], vector<16xf32>,
      %gather3A_116 = tpu.vector_load_idx %arg9[%get3A_114] : memref<5120xf32, #tpu.memory_space<vmem>>[vector<16xi32>], vector<16xf32>,
      %add3A_117 = arith.addf %gather3A_115, %gather3A_116 : vector<16xf32>
      %mul3A_118 = arith.constant 2.000000e-01 : f32
      %mul3A_119 = vector.broadcast %mul3A_118 : f32 to vector<16xf32>
      %mul3A_120 = arith.mulf %mul3A_119, %add3A_117 : vector<16xf32>
      %max3A_121 = arith.maximumf %add3A_117, %mul3A_120 : vector<16xf32>
      %exp3A_122 = math.exp %max3A_121 : vector<16xf32>
      %swap3A_123 = arith.constant 0 : i32
      %swap3A_124 = arith.index_cast %swap3A_123 : i32 to index
      %swap3A_125 = arith.constant 16 : index
      %swap3A_126 = tpu.vector_load %arg13[%swap3A_124, %swap3A_125] {strides = array<i32>} : memref<2x128xf32, #tpu.memory_space<vmem>>, vector<16xf32>,
      tpu.vector_store %arg13[%swap3A_124, %swap3A_125], %exp3A_122 {strides = array<i32>} : memref<2x128xf32, #tpu.memory_space<vmem>>, vector<16xf32>,
      %add3A_127 = arith.constant 0 : i32
      %add3A_128 = vector.broadcast %add3A_127 : i32 to vector<16xi32>
      %add3A_129 = arith.addi %get3A_114, %add3A_128 : vector<16xi32>
      tpu.vector_store_idx %arg10[%add3A_129], %exp3A_122 {add = true} : memref<5120xf32, #tpu.memory_space<vmem>>[vector<16xi32>], vector<16xf32>,
      %get3A_130 = arith.constant 0 : i32
      %get3A_131 = arith.index_cast %get3A_130 : i32 to index
      %get3A_132 = arith.constant 32 : index
      %get3A_133 = tpu.vector_load %arg11[%get3A_131, %get3A_132] {strides = array<i32>} : memref<2x128xi32, #tpu.memory_space<vmem>>, vector<16xi32>,
      %get3A_134 = arith.constant 0 : i32
      %get3A_135 = arith.index_cast %get3A_134 : i32 to index
      %get3A_136 = arith.constant 32 : index
      %get3A_137 = tpu.vector_load %arg12[%get3A_135, %get3A_136] {strides = array<i32>} : memref<2x128xi32, #tpu.memory_space<vmem>>, vector<16xi32>,
      %gather3A_138 = tpu.vector_load_idx %arg8[%get3A_133] : memref<5120xf32, #tpu.memory_space<vmem>>[vector<16xi32>], vector<16xf32>,
      %gather3A_139 = tpu.vector_load_idx %arg9[%get3A_137] : memref<5120xf32, #tpu.memory_space<vmem>>[vector<16xi32>], vector<16xf32>,
      %add3A_140 = arith.addf %gather3A_138, %gather3A_139 : vector<16xf32>
      %mul3A_141 = arith.constant 2.000000e-01 : f32
      %mul3A_142 = vector.broadcast %mul3A_141 : f32 to vector<16xf32>
      %mul3A_143 = arith.mulf %mul3A_142, %add3A_140 : vector<16xf32>
      %max3A_144 = arith.maximumf %add3A_140, %mul3A_143 : vector<16xf32>
      %exp3A_145 = math.exp %max3A_144 : vector<16xf32>
      %swap3A_146 = arith.constant 0 : i32
      %swap3A_147 = arith.index_cast %swap3A_146 : i32 to index
      %swap3A_148 = arith.constant 32 : index
      %swap3A_149 = tpu.vector_load %arg13[%swap3A_147, %swap3A_148] {strides = array<i32>} : memref<2x128xf32, #tpu.memory_space<vmem>>, vector<16xf32>,
      tpu.vector_store %arg13[%swap3A_147, %swap3A_148], %exp3A_145 {strides = array<i32>} : memref<2x128xf32, #tpu.memory_space<vmem>>, vector<16xf32>,
      %add3A_150 = arith.constant 0 : i32
      %add3A_151 = vector.broadcast %add3A_150 : i32 to vector<16xi32>
      %add3A_152 = arith.addi %get3A_137, %add3A_151 : vector<16xi32>
      tpu.vector_store_idx %arg10[%add3A_152], %exp3A_145 {add = true} : memref<5120xf32, #tpu.memory_space<vmem>>[vector<16xi32>], vector<16xf32>,
      %get3A_153 = arith.constant 0 : i32
      %get3A_154 = arith.index_cast %get3A_153 : i32 to index
      %get3A_155 = arith.constant 48 : index
      %get3A_156 = tpu.vector_load %arg11[%get3A_154, %get3A_155] {strides = array<i32>} : memref<2x128xi32, #tpu.memory_space<vmem>>, vector<16xi32>,
      %get3A_157 = arith.constant 0 : i32
      %get3A_158 = arith.index_cast %get3A_157 : i32 to index
      %get3A_159 = arith.constant 48 : index
      %get3A_160 = tpu.vector_load %arg12[%get3A_158, %get3A_159] {strides = array<i32>} : memref<2x128xi32, #tpu.memory_space<vmem>>, vector<16xi32>,
      %gather3A_161 = tpu.vector_load_idx %arg8[%get3A_156] : memref<5120xf32, #tpu.memory_space<vmem>>[vector<16xi32>], vector<16xf32>,
      %gather3A_162 = tpu.vector_load_idx %arg9[%get3A_160] : memref<5120xf32, #tpu.memory_space<vmem>>[vector<16xi32>], vector<16xf32>,
      %add3A_163 = arith.addf %gather3A_161, %gather3A_162 : vector<16xf32>
      %mul3A_164 = arith.constant 2.000000e-01 : f32
      %mul3A_165 = vector.broadcast %mul3A_164 : f32 to vector<16xf32>
      %mul3A_166 = arith.mulf %mul3A_165, %add3A_163 : vector<16xf32>
      %max3A_167 = arith.maximumf %add3A_163, %mul3A_166 : vector<16xf32>
      %exp3A_168 = math.exp %max3A_167 : vector<16xf32>
      %swap3A_169 = arith.constant 0 : i32
      %swap3A_170 = arith.index_cast %swap3A_169 : i32 to index
      %swap3A_171 = arith.constant 48 : index
      %swap3A_172 = tpu.vector_load %arg13[%swap3A_170, %swap3A_171] {strides = array<i32>} : memref<2x128xf32, #tpu.memory_space<vmem>>, vector<16xf32>,
      tpu.vector_store %arg13[%swap3A_170, %swap3A_171], %exp3A_168 {strides = array<i32>} : memref<2x128xf32, #tpu.memory_space<vmem>>, vector<16xf32>,
      %add3A_173 = arith.constant 0 : i32
      %add3A_174 = vector.broadcast %add3A_173 : i32 to vector<16xi32>
      %add3A_175 = arith.addi %get3A_160, %add3A_174 : vector<16xi32>
      tpu.vector_store_idx %arg10[%add3A_175], %exp3A_168 {add = true} : memref<5120xf32, #tpu.memory_space<vmem>>[vector<16xi32>], vector<16xf32>,
      %get3A_176 = arith.constant 0 : i32
      %get3A_177 = arith.index_cast %get3A_176 : i32 to index
      %get3A_178 = arith.constant 64 : index
      %get3A_179 = tpu.vector_load %arg11[%get3A_177, %get3A_178] {strides = array<i32>} : memref<2x128xi32, #tpu.memory_space<vmem>>, vector<16xi32>,
      %get3A_180 = arith.constant 0 : i32
      %get3A_181 = arith.index_cast %get3A_180 : i32 to index
      %get3A_182 = arith.constant 64 : index
      %get3A_183 = tpu.vector_load %arg12[%get3A_181, %get3A_182] {strides = array<i32>} : memref<2x128xi32, #tpu.memory_space<vmem>>, vector<16xi32>,
      %gather3A_184 = tpu.vector_load_idx %arg8[%get3A_179] : memref<5120xf32, #tpu.memory_space<vmem>>[vector<16xi32>], vector<16xf32>,
      %gather3A_185 = tpu.vector_load_idx %arg9[%get3A_183] : memref<5120xf32, #tpu.memory_space<vmem>>[vector<16xi32>], vector<16xf32>,
      %add3A_186 = arith.addf %gather3A_184, %gather3A_185 : vector<16xf32>
      %mul3A_187 = arith.constant 2.000000e-01 : f32
      %mul3A_188 = vector.broadcast %mul3A_187 : f32 to vector<16xf32>
      %mul3A_189 = arith.mulf %mul3A_188, %add3A_186 : vector<16xf32>
      %max3A_190 = arith.maximumf %add3A_186, %mul3A_189 : vector<16xf32>
      %exp3A_191 = math.exp %max3A_190 : vector<16xf32>
      %swap3A_192 = arith.constant 0 : i32
      %swap3A_193 = arith.index_cast %swap3A_192 : i32 to index
      %swap3A_194 = arith.constant 64 : index
      %swap3A_195 = tpu.vector_load %arg13[%swap3A_193, %swap3A_194] {strides = array<i32>} : memref<2x128xf32, #tpu.memory_space<vmem>>, vector<16xf32>,
      tpu.vector_store %arg13[%swap3A_193, %swap3A_194], %exp3A_191 {strides = array<i32>} : memref<2x128xf32, #tpu.memory_space<vmem>>, vector<16xf32>,
      %add3A_196 = arith.constant 0 : i32
      %add3A_197 = vector.broadcast %add3A_196 : i32 to vector<16xi32>
      %add3A_198 = arith.addi %get3A_183, %add3A_197 : vector<16xi32>
      tpu.vector_store_idx %arg10[%add3A_198], %exp3A_191 {add = true} : memref<5120xf32, #tpu.memory_space<vmem>>[vector<16xi32>], vector<16xf32>,
      %get3A_199 = arith.constant 0 : i32
      %get3A_200 = arith.index_cast %get3A_199 : i32 to index
      %get3A_201 = arith.constant 80 : index
      %get3A_202 = tpu.vector_load %arg11[%get3A_200, %get3A_201] {strides = array<i32>} : memref<2x128xi32, #tpu.memory_space<vmem>>, vector<16xi32>,
      %get3A_203 = arith.constant 0 : i32
      %get3A_204 = arith.index_cast %get3A_203 : i32 to index
      %get3A_205 = arith.constant 80 : index
      %get3A_206 = tpu.vector_load %arg12[%get3A_204, %get3A_205] {strides = array<i32>} : memref<2x128xi32, #tpu.memory_space<vmem>>, vector<16xi32>,
      %gather3A_207 = tpu.vector_load_idx %arg8[%get3A_202] : memref<5120xf32, #tpu.memory_space<vmem>>[vector<16xi32>], vector<16xf32>,
      %gather3A_208 = tpu.vector_load_idx %arg9[%get3A_206] : memref<5120xf32, #tpu.memory_space<vmem>>[vector<16xi32>], vector<16xf32>,
      %add3A_209 = arith.addf %gather3A_207, %gather3A_208 : vector<16xf32>
      %mul3A_210 = arith.constant 2.000000e-01 : f32
      %mul3A_211 = vector.broadcast %mul3A_210 : f32 to vector<16xf32>
      %mul3A_212 = arith.mulf %mul3A_211, %add3A_209 : vector<16xf32>
      %max3A_213 = arith.maximumf %add3A_209, %mul3A_212 : vector<16xf32>
      %exp3A_214 = math.exp %max3A_213 : vector<16xf32>
      %swap3A_215 = arith.constant 0 : i32
      %swap3A_216 = arith.index_cast %swap3A_215 : i32 to index
      %swap3A_217 = arith.constant 80 : index
      %swap3A_218 = tpu.vector_load %arg13[%swap3A_216, %swap3A_217] {strides = array<i32>} : memref<2x128xf32, #tpu.memory_space<vmem>>, vector<16xf32>,
      tpu.vector_store %arg13[%swap3A_216, %swap3A_217], %exp3A_214 {strides = array<i32>} : memref<2x128xf32, #tpu.memory_space<vmem>>, vector<16xf32>,
      %add3A_219 = arith.constant 0 : i32
      %add3A_220 = vector.broadcast %add3A_219 : i32 to vector<16xi32>
      %add3A_221 = arith.addi %get3A_206, %add3A_220 : vector<16xi32>
      tpu.vector_store_idx %arg10[%add3A_221], %exp3A_214 {add = true} : memref<5120xf32, #tpu.memory_space<vmem>>[vector<16xi32>], vector<16xf32>,
      %get3A_222 = arith.constant 0 : i32
      %get3A_223 = arith.index_cast %get3A_222 : i32 to index
      %get3A_224 = arith.constant 96 : index
      %get3A_225 = tpu.vector_load %arg11[%get3A_223, %get3A_224] {strides = array<i32>} : memref<2x128xi32, #tpu.memory_space<vmem>>, vector<16xi32>,
      %get3A_226 = arith.constant 0 : i32
      %get3A_227 = arith.index_cast %get3A_226 : i32 to index
      %get3A_228 = arith.constant 96 : index
      %get3A_229 = tpu.vector_load %arg12[%get3A_227, %get3A_228] {strides = array<i32>} : memref<2x128xi32, #tpu.memory_space<vmem>>, vector<16xi32>,
      %gather3A_230 = tpu.vector_load_idx %arg8[%get3A_225] : memref<5120xf32, #tpu.memory_space<vmem>>[vector<16xi32>], vector<16xf32>,
      %gather3A_231 = tpu.vector_load_idx %arg9[%get3A_229] : memref<5120xf32, #tpu.memory_space<vmem>>[vector<16xi32>], vector<16xf32>,
      %add3A_232 = arith.addf %gather3A_230, %gather3A_231 : vector<16xf32>
      %mul3A_233 = arith.constant 2.000000e-01 : f32
      %mul3A_234 = vector.broadcast %mul3A_233 : f32 to vector<16xf32>
      %mul3A_235 = arith.mulf %mul3A_234, %add3A_232 : vector<16xf32>
      %max3A_236 = arith.maximumf %add3A_232, %mul3A_235 : vector<16xf32>
      %exp3A_237 = math.exp %max3A_236 : vector<16xf32>
      %swap3A_238 = arith.constant 0 : i32
      %swap3A_239 = arith.index_cast %swap3A_238 : i32 to index
      %swap3A_240 = arith.constant 96 : index
      %swap3A_241 = tpu.vector_load %arg13[%swap3A_239, %swap3A_240] {strides = array<i32>} : memref<2x128xf32, #tpu.memory_space<vmem>>, vector<16xf32>,
      tpu.vector_store %arg13[%swap3A_239, %swap3A_240], %exp3A_237 {strides = array<i32>} : memref<2x128xf32, #tpu.memory_space<vmem>>, vector<16xf32>,
      %add3A_242 = arith.constant 0 : i32
      %add3A_243 = vector.broadcast %add3A_242 : i32 to vector<16xi32>
      %add3A_244 = arith.addi %get3A_229, %add3A_243 : vector<16xi32>
      tpu.vector_store_idx %arg10[%add3A_244], %exp3A_237 {add = true} : memref<5120xf32, #tpu.memory_space<vmem>>[vector<16xi32>], vector<16xf32>,
      %get3A_245 = arith.constant 0 : i32
      %get3A_246 = arith.index_cast %get3A_245 : i32 to index
      %get3A_247 = arith.constant 112 : index
      %get3A_248 = tpu.vector_load %arg11[%get3A_246, %get3A_247] {strides = array<i32>} : memref<2x128xi32, #tpu.memory_space<vmem>>, vector<16xi32>,
      %get3A_249 = arith.constant 0 : i32
      %get3A_250 = arith.index_cast %get3A_249 : i32 to index
      %get3A_251 = arith.constant 112 : index
      %get3A_252 = tpu.vector_load %arg12[%get3A_250, %get3A_251] {strides = array<i32>} : memref<2x128xi32, #tpu.memory_space<vmem>>, vector<16xi32>,
      %gather3A_253 = tpu.vector_load_idx %arg8[%get3A_248] : memref<5120xf32, #tpu.memory_space<vmem>>[vector<16xi32>], vector<16xf32>,
      %gather3A_254 = tpu.vector_load_idx %arg9[%get3A_252] : memref<5120xf32, #tpu.memory_space<vmem>>[vector<16xi32>], vector<16xf32>,
      %add3A_255 = arith.addf %gather3A_253, %gather3A_254 : vector<16xf32>
      %mul3A_256 = arith.constant 2.000000e-01 : f32
      %mul3A_257 = vector.broadcast %mul3A_256 : f32 to vector<16xf32>
      %mul3A_258 = arith.mulf %mul3A_257, %add3A_255 : vector<16xf32>
      %max3A_259 = arith.maximumf %add3A_255, %mul3A_258 : vector<16xf32>
      %exp3A_260 = math.exp %max3A_259 : vector<16xf32>
      %swap3A_261 = arith.constant 0 : i32
      %swap3A_262 = arith.index_cast %swap3A_261 : i32 to index
      %swap3A_263 = arith.constant 112 : index
      %swap3A_264 = tpu.vector_load %arg13[%swap3A_262, %swap3A_263] {strides = array<i32>} : memref<2x128xf32, #tpu.memory_space<vmem>>, vector<16xf32>,
      tpu.vector_store %arg13[%swap3A_262, %swap3A_263], %exp3A_260 {strides = array<i32>} : memref<2x128xf32, #tpu.memory_space<vmem>>, vector<16xf32>,
      %add3A_265 = arith.constant 0 : i32
      %add3A_266 = vector.broadcast %add3A_265 : i32 to vector<16xi32>
      %add3A_267 = arith.addi %get3A_252, %add3A_266 : vector<16xi32>
      tpu.vector_store_idx %arg10[%add3A_267], %exp3A_260 {add = true} : memref<5120xf32, #tpu.memory_space<vmem>>[vector<16xi32>], vector<16xf32>,
      %mul3A_268 = arith.constant 40 : i32
      %mul3A_269 = arith.muli %add3A, %mul3A_268 : i32
      %add3A_270 = arith.addi %mul3A_269, %add3A_58 : i32
      %mul3A_271 = arith.constant 1 : i32
      %mul3A_272 = arith.muli %add3A_270, %mul3A_271 : i32
      %add3A_273 = arith.constant 0 : i32
      %add3A_274 = arith.addi %mul3A_272, %add3A_273 : i32
      %mul3A_275 = arith.constant 128 : i32
      %mul3A_276 = arith.muli %add3A_274, %mul3A_275 : i32
      %dma_start3A_277 = arith.constant 0 : i32
      %dma_start3A_278 = arith.constant 0 : i32
      %dma_start3A_279 = tpu.memref_slice %arg13[%dma_start3A_277, %dma_start3A_278] : memref<2x128xf32, #tpu.memory_space<vmem>> -> memref<1x128xf32, #tpu.memory_space<vmem>>
      %dma_start3A_280 = tpu.memref_squeeze %dma_start3A_279 : memref<1x128xf32, #tpu.memory_space<vmem>> -> memref<128xf32, #tpu.memory_space<vmem>>
      %dma_start3A_281 = tpu.memref_slice %arg6[%mul3A_276] : memref<163840xf32, #tpu.memory_space<hbm>> -> memref<128xf32, #tpu.memory_space<hbm>>
      %dma_start3A_282 = tpu.memref_slice %arg6[%mul3A_276] : memref<163840xf32, #tpu.memory_space<hbm>> -> memref<128xf32, #tpu.memory_space<hbm>>
      %dma_start3A_283 = arith.constant 0 : i32
      %dma_start3A_284 = tpu.memref_slice %arg13[%dma_start3A_277, %dma_start3A_283] : memref<2x128xf32, #tpu.memory_space<vmem>> -> memref<1x128xf32, #tpu.memory_space<vmem>>
      %dma_start3A_285 = tpu.memref_squeeze %dma_start3A_284 : memref<1x128xf32, #tpu.memory_space<vmem>> -> memref<128xf32, #tpu.memory_space<vmem>>
      tpu.enqueue_dma source(%dma_start3A_285 : memref<128xf32, #tpu.memory_space<vmem>>) target(%dma_start3A_282 : memref<128xf32, #tpu.memory_space<hbm>>) target_semaphore(%arg16 : memref<!tpu.dma_semaphore, #tpu.memory_space<semaphore_mem>>)
      %add3A_286 = arith.constant 1 : i32
      %add3A_287 = arith.addi %add3A_56, %add3A_286 : i32
      %dma_wait3A_288 = arith.constant 1 : i32
      %dma_wait3A_289 = arith.constant 0 : i32
      %dma_wait3A_290 = tpu.memref_slice %arg11[%dma_wait3A_288, %dma_wait3A_289] : memref<2x128xi32, #tpu.memory_space<vmem>> -> memref<1x128xi32, #tpu.memory_space<vmem>>
      %dma_wait3A_291 = tpu.memref_squeeze %dma_wait3A_290 : memref<1x128xi32, #tpu.memory_space<vmem>> -> memref<128xi32, #tpu.memory_space<vmem>>
      %dma_wait3A_292 = arith.constant 0 : i32
      %dma_wait3A_293 = tpu.memref_slice %arg2[%dma_wait3A_292] : memref<163840xi32, #tpu.memory_space<hbm>> -> memref<128xi32, #tpu.memory_space<hbm>>
      %dma_wait3A_294 = arith.constant 0 : i32
      %dma_wait3A_295 = tpu.memref_slice %arg11[%dma_wait3A_288, %dma_wait3A_294] : memref<2x128xi32, #tpu.memory_space<vmem>> -> memref<1x128xi32, #tpu.memory_space<vmem>>
      %dma_wait3A_296 = tpu.memref_squeeze %dma_wait3A_295 : memref<1x128xi32, #tpu.memory_space<vmem>> -> memref<128xi32, #tpu.memory_space<vmem>>
      %dma_wait3A_297 = arith.constant 0 : i32
      %dma_wait3A_298 = tpu.memref_slice %arg2[%dma_wait3A_297] : memref<163840xi32, #tpu.memory_space<hbm>> -> memref<128xi32, #tpu.memory_space<hbm>>
      tpu.wait_dma2 semaphore(%arg15 : memref<!tpu.dma_semaphore, #tpu.memory_space<semaphore_mem>>) src(%dma_wait3A_298 : memref<128xi32, #tpu.memory_space<hbm>>) dst(%dma_wait3A_296 : memref<128xi32, #tpu.memory_space<vmem>>)
      %dma_wait3A_299 = arith.constant 1 : i32
      %dma_wait3A_300 = arith.constant 0 : i32
      %dma_wait3A_301 = tpu.memref_slice %arg12[%dma_wait3A_299, %dma_wait3A_300] : memref<2x128xi32, #tpu.memory_space<vmem>> -> memref<1x128xi32, #tpu.memory_space<vmem>>
      %dma_wait3A_302 = tpu.memref_squeeze %dma_wait3A_301 : memref<1x128xi32, #tpu.memory_space<vmem>> -> memref<128xi32, #tpu.memory_space<vmem>>
      %dma_wait3A_303 = arith.constant 0 : i32
      %dma_wait3A_304 = tpu.memref_slice %arg3[%dma_wait3A_303] : memref<163840xi32, #tpu.memory_space<hbm>> -> memref<128xi32, #tpu.memory_space<hbm>>
      %dma_wait3A_305 = arith.constant 0 : i32
      %dma_wait3A_306 = tpu.memref_slice %arg12[%dma_wait3A_299, %dma_wait3A_305] : memref<2x128xi32, #tpu.memory_space<vmem>> -> memref<1x128xi32, #tpu.memory_space<vmem>>
      %dma_wait3A_307 = tpu.memref_squeeze %dma_wait3A_306 : memref<1x128xi32, #tpu.memory_space<vmem>> -> memref<128xi32, #tpu.memory_space<vmem>>
      %dma_wait3A_308 = arith.constant 0 : i32
      %dma_wait3A_309 = tpu.memref_slice %arg3[%dma_wait3A_308] : memref<163840xi32, #tpu.memory_space<hbm>> -> memref<128xi32, #tpu.memory_space<hbm>>
      tpu.wait_dma2 semaphore(%arg15 : memref<!tpu.dma_semaphore, #tpu.memory_space<semaphore_mem>>) src(%dma_wait3A_309 : memref<128xi32, #tpu.memory_space<hbm>>) dst(%dma_wait3A_307 : memref<128xi32, #tpu.memory_space<vmem>>)
      %ge3A_310 = arith.constant 2 : i32
      %ge3A_311 = arith.cmpi sge, %add3A_287, %ge3A_310 : i32
      %convert_element_type3A_312 = arith.extui %ge3A_311 : i1 to i32
      %cond3A_313 = arith.constant 0 : i32
      %cond3A_314 = arith.cmpi ne, %convert_element_type3A_312, %cond3A_313 : i32
      scf.if %cond3A_314 {
        %dma_wait3A_524 = arith.constant 1 : i32
        %dma_wait3A_525 = arith.constant 0 : i32
        %dma_wait3A_526 = tpu.memref_slice %arg13[%dma_wait3A_524, %dma_wait3A_525] : memref<2x128xf32, #tpu.memory_space<vmem>> -> memref<1x128xf32, #tpu.memory_space<vmem>>
        %dma_wait3A_527 = tpu.memref_squeeze %dma_wait3A_526 : memref<1x128xf32, #tpu.memory_space<vmem>> -> memref<128xf32, #tpu.memory_space<vmem>>
        %dma_wait3A_528 = arith.constant 0 : i32
        %dma_wait3A_529 = tpu.memref_slice %arg6[%dma_wait3A_528] : memref<163840xf32, #tpu.memory_space<hbm>> -> memref<128xf32, #tpu.memory_space<hbm>>
        %dma_wait3A_530 = arith.constant 0 : i32
        %dma_wait3A_531 = tpu.memref_slice %arg6[%dma_wait3A_530] : memref<163840xf32, #tpu.memory_space<hbm>> -> memref<128xf32, #tpu.memory_space<hbm>>
        %dma_wait3A_532 = arith.constant 0 : i32
        %dma_wait3A_533 = tpu.memref_slice %arg13[%dma_wait3A_524, %dma_wait3A_532] : memref<2x128xf32, #tpu.memory_space<vmem>> -> memref<1x128xf32, #tpu.memory_space<vmem>>
        %dma_wait3A_534 = tpu.memref_squeeze %dma_wait3A_533 : memref<1x128xf32, #tpu.memory_space<vmem>> -> memref<128xf32, #tpu.memory_space<vmem>>
        tpu.wait_dma2 semaphore(%arg17 : memref<!tpu.dma_semaphore, #tpu.memory_space<semaphore_mem>>) src(%dma_wait3A_534 : memref<128xf32, #tpu.memory_space<vmem>>) dst(%dma_wait3A_531 : memref<128xf32, #tpu.memory_space<hbm>>)
      } else {
      }
      %add3A_315 = arith.constant 1 : i32
      %add3A_316 = arith.addi %add3A_287, %add3A_315 : i32
      %lt3A_317 = arith.constant 40 : i32
      %lt3A_318 = arith.cmpi slt, %add3A_316, %lt3A_317 : i32
      %convert_element_type3A_319 = arith.extui %lt3A_318 : i1 to i32
      %cond3A_320 = arith.constant 0 : i32
      %cond3A_321 = arith.cmpi ne, %convert_element_type3A_319, %cond3A_320 : i32
      scf.if %cond3A_321 {
        %add3A_524 = arith.constant 1 : i32
        %add3A_525 = arith.addi %add3A_287, %add3A_524 : i32
        %mul3A_526 = arith.constant 128 : i32
        %mul3A_527 = arith.muli %add3A_525, %mul3A_526 : i32
        %add3A_528 = arith.addi %mul3A_2, %mul3A_527 : i32
        %dma_start3A_529 = arith.constant 0 : i32
        %dma_start3A_530 = arith.constant 0 : i32
        %dma_start3A_531 = tpu.memref_slice %arg11[%dma_start3A_529, %dma_start3A_530] : memref<2x128xi32, #tpu.memory_space<vmem>> -> memref<1x128xi32, #tpu.memory_space<vmem>>
        %dma_start3A_532 = tpu.memref_squeeze %dma_start3A_531 : memref<1x128xi32, #tpu.memory_space<vmem>> -> memref<128xi32, #tpu.memory_space<vmem>>
        %dma_start3A_533 = tpu.memref_slice %arg2[%add3A_528] : memref<163840xi32, #tpu.memory_space<hbm>> -> memref<128xi32, #tpu.memory_space<hbm>>
        %dma_start3A_534 = arith.constant 0 : i32
        %dma_start3A_535 = tpu.memref_slice %arg11[%dma_start3A_529, %dma_start3A_534] : memref<2x128xi32, #tpu.memory_space<vmem>> -> memref<1x128xi32, #tpu.memory_space<vmem>>
        %dma_start3A_536 = tpu.memref_squeeze %dma_start3A_535 : memref<1x128xi32, #tpu.memory_space<vmem>> -> memref<128xi32, #tpu.memory_space<vmem>>
        %dma_start3A_537 = tpu.memref_slice %arg2[%add3A_528] : memref<163840xi32, #tpu.memory_space<hbm>> -> memref<128xi32, #tpu.memory_space<hbm>>
        tpu.enqueue_dma source(%dma_start3A_537 : memref<128xi32, #tpu.memory_space<hbm>>) target(%dma_start3A_536 : memref<128xi32, #tpu.memory_space<vmem>>) target_semaphore(%arg14 : memref<!tpu.dma_semaphore, #tpu.memory_space<semaphore_mem>>)
        %dma_start3A_538 = arith.constant 0 : i32
        %dma_start3A_539 = arith.constant 0 : i32
        %dma_start3A_540 = tpu.memref_slice %arg12[%dma_start3A_538, %dma_start3A_539] : memref<2x128xi32, #tpu.memory_space<vmem>> -> memref<1x128xi32, #tpu.memory_space<vmem>>
        %dma_start3A_541 = tpu.memref_squeeze %dma_start3A_540 : memref<1x128xi32, #tpu.memory_space<vmem>> -> memref<128xi32, #tpu.memory_space<vmem>>
        %dma_start3A_542 = tpu.memref_slice %arg3[%add3A_528] : memref<163840xi32, #tpu.memory_space<hbm>> -> memref<128xi32, #tpu.memory_space<hbm>>
        %dma_start3A_543 = arith.constant 0 : i32
        %dma_start3A_544 = tpu.memref_slice %arg12[%dma_start3A_538, %dma_start3A_543] : memref<2x128xi32, #tpu.memory_space<vmem>> -> memref<1x128xi32, #tpu.memory_space<vmem>>
        %dma_start3A_545 = tpu.memref_squeeze %dma_start3A_544 : memref<1x128xi32, #tpu.memory_space<vmem>> -> memref<128xi32, #tpu.memory_space<vmem>>
        %dma_start3A_546 = tpu.memref_slice %arg3[%add3A_528] : memref<163840xi32, #tpu.memory_space<hbm>> -> memref<128xi32, #tpu.memory_space<hbm>>
        tpu.enqueue_dma source(%dma_start3A_546 : memref<128xi32, #tpu.memory_space<hbm>>) target(%dma_start3A_545 : memref<128xi32, #tpu.memory_space<vmem>>) target_semaphore(%arg14 : memref<!tpu.dma_semaphore, #tpu.memory_space<semaphore_mem>>)
      } else {
      }
      %get3A_322 = arith.constant 1 : i32
      %get3A_323 = arith.index_cast %get3A_322 : i32 to index
      %get3A_324 = arith.constant 0 : index
      %get3A_325 = tpu.vector_load %arg11[%get3A_323, %get3A_324] {strides = array<i32>} : memref<2x128xi32, #tpu.memory_space<vmem>>, vector<16xi32>,
      %get3A_326 = arith.constant 1 : i32
      %get3A_327 = arith.index_cast %get3A_326 : i32 to index
      %get3A_328 = arith.constant 0 : index
      %get3A_329 = tpu.vector_load %arg12[%get3A_327, %get3A_328] {strides = array<i32>} : memref<2x128xi32, #tpu.memory_space<vmem>>, vector<16xi32>,
      %gather3A_330 = tpu.vector_load_idx %arg8[%get3A_325] : memref<5120xf32, #tpu.memory_space<vmem>>[vector<16xi32>], vector<16xf32>,
      %gather3A_331 = tpu.vector_load_idx %arg9[%get3A_329] : memref<5120xf32, #tpu.memory_space<vmem>>[vector<16xi32>], vector<16xf32>,
      %add3A_332 = arith.addf %gather3A_330, %gather3A_331 : vector<16xf32>
      %mul3A_333 = arith.constant 2.000000e-01 : f32
      %mul3A_334 = vector.broadcast %mul3A_333 : f32 to vector<16xf32>
      %mul3A_335 = arith.mulf %mul3A_334, %add3A_332 : vector<16xf32>
      %max3A_336 = arith.maximumf %add3A_332, %mul3A_335 : vector<16xf32>
      %exp3A_337 = math.exp %max3A_336 : vector<16xf32>
      %swap3A_338 = arith.constant 1 : i32
      %swap3A_339 = arith.index_cast %swap3A_338 : i32 to index
      %swap3A_340 = arith.constant 0 : index
      %swap3A_341 = tpu.vector_load %arg13[%swap3A_339, %swap3A_340] {strides = array<i32>} : memref<2x128xf32, #tpu.memory_space<vmem>>, vector<16xf32>,
      tpu.vector_store %arg13[%swap3A_339, %swap3A_340], %exp3A_337 {strides = array<i32>} : memref<2x128xf32, #tpu.memory_space<vmem>>, vector<16xf32>,
      %add3A_342 = arith.constant 0 : i32
      %add3A_343 = vector.broadcast %add3A_342 : i32 to vector<16xi32>
      %add3A_344 = arith.addi %get3A_329, %add3A_343 : vector<16xi32>
      tpu.vector_store_idx %arg10[%add3A_344], %exp3A_337 {add = true} : memref<5120xf32, #tpu.memory_space<vmem>>[vector<16xi32>], vector<16xf32>,
      %get3A_345 = arith.constant 1 : i32
      %get3A_346 = arith.index_cast %get3A_345 : i32 to index
      %get3A_347 = arith.constant 16 : index
      %get3A_348 = tpu.vector_load %arg11[%get3A_346, %get3A_347] {strides = array<i32>} : memref<2x128xi32, #tpu.memory_space<vmem>>, vector<16xi32>,
      %get3A_349 = arith.constant 1 : i32
      %get3A_350 = arith.index_cast %get3A_349 : i32 to index
      %get3A_351 = arith.constant 16 : index
      %get3A_352 = tpu.vector_load %arg12[%get3A_350, %get3A_351] {strides = array<i32>} : memref<2x128xi32, #tpu.memory_space<vmem>>, vector<16xi32>,
      %gather3A_353 = tpu.vector_load_idx %arg8[%get3A_348] : memref<5120xf32, #tpu.memory_space<vmem>>[vector<16xi32>], vector<16xf32>,
      %gather3A_354 = tpu.vector_load_idx %arg9[%get3A_352] : memref<5120xf32, #tpu.memory_space<vmem>>[vector<16xi32>], vector<16xf32>,
      %add3A_355 = arith.addf %gather3A_353, %gather3A_354 : vector<16xf32>
      %mul3A_356 = arith.constant 2.000000e-01 : f32
      %mul3A_357 = vector.broadcast %mul3A_356 : f32 to vector<16xf32>
      %mul3A_358 = arith.mulf %mul3A_357, %add3A_355 : vector<16xf32>
      %max3A_359 = arith.maximumf %add3A_355, %mul3A_358 : vector<16xf32>
      %exp3A_360 = math.exp %max3A_359 : vector<16xf32>
      %swap3A_361 = arith.constant 1 : i32
      %swap3A_362 = arith.index_cast %swap3A_361 : i32 to index
      %swap3A_363 = arith.constant 16 : index
      %swap3A_364 = tpu.vector_load %arg13[%swap3A_362, %swap3A_363] {strides = array<i32>} : memref<2x128xf32, #tpu.memory_space<vmem>>, vector<16xf32>,
      tpu.vector_store %arg13[%swap3A_362, %swap3A_363], %exp3A_360 {strides = array<i32>} : memref<2x128xf32, #tpu.memory_space<vmem>>, vector<16xf32>,
      %add3A_365 = arith.constant 0 : i32
      %add3A_366 = vector.broadcast %add3A_365 : i32 to vector<16xi32>
      %add3A_367 = arith.addi %get3A_352, %add3A_366 : vector<16xi32>
      tpu.vector_store_idx %arg10[%add3A_367], %exp3A_360 {add = true} : memref<5120xf32, #tpu.memory_space<vmem>>[vector<16xi32>], vector<16xf32>,
      %get3A_368 = arith.constant 1 : i32
      %get3A_369 = arith.index_cast %get3A_368 : i32 to index
      %get3A_370 = arith.constant 32 : index
      %get3A_371 = tpu.vector_load %arg11[%get3A_369, %get3A_370] {strides = array<i32>} : memref<2x128xi32, #tpu.memory_space<vmem>>, vector<16xi32>,
      %get3A_372 = arith.constant 1 : i32
      %get3A_373 = arith.index_cast %get3A_372 : i32 to index
      %get3A_374 = arith.constant 32 : index
      %get3A_375 = tpu.vector_load %arg12[%get3A_373, %get3A_374] {strides = array<i32>} : memref<2x128xi32, #tpu.memory_space<vmem>>, vector<16xi32>,
      %gather3A_376 = tpu.vector_load_idx %arg8[%get3A_371] : memref<5120xf32, #tpu.memory_space<vmem>>[vector<16xi32>], vector<16xf32>,
      %gather3A_377 = tpu.vector_load_idx %arg9[%get3A_375] : memref<5120xf32, #tpu.memory_space<vmem>>[vector<16xi32>], vector<16xf32>,
      %add3A_378 = arith.addf %gather3A_376, %gather3A_377 : vector<16xf32>
      %mul3A_379 = arith.constant 2.000000e-01 : f32
      %mul3A_380 = vector.broadcast %mul3A_379 : f32 to vector<16xf32>
      %mul3A_381 = arith.mulf %mul3A_380, %add3A_378 : vector<16xf32>
      %max3A_382 = arith.maximumf %add3A_378, %mul3A_381 : vector<16xf32>
      %exp3A_383 = math.exp %max3A_382 : vector<16xf32>
      %swap3A_384 = arith.constant 1 : i32
      %swap3A_385 = arith.index_cast %swap3A_384 : i32 to index
      %swap3A_386 = arith.constant 32 : index
      %swap3A_387 = tpu.vector_load %arg13[%swap3A_385, %swap3A_386] {strides = array<i32>} : memref<2x128xf32, #tpu.memory_space<vmem>>, vector<16xf32>,
      tpu.vector_store %arg13[%swap3A_385, %swap3A_386], %exp3A_383 {strides = array<i32>} : memref<2x128xf32, #tpu.memory_space<vmem>>, vector<16xf32>,
      %add3A_388 = arith.constant 0 : i32
      %add3A_389 = vector.broadcast %add3A_388 : i32 to vector<16xi32>
      %add3A_390 = arith.addi %get3A_375, %add3A_389 : vector<16xi32>
      tpu.vector_store_idx %arg10[%add3A_390], %exp3A_383 {add = true} : memref<5120xf32, #tpu.memory_space<vmem>>[vector<16xi32>], vector<16xf32>,
      %get3A_391 = arith.constant 1 : i32
      %get3A_392 = arith.index_cast %get3A_391 : i32 to index
      %get3A_393 = arith.constant 48 : index
      %get3A_394 = tpu.vector_load %arg11[%get3A_392, %get3A_393] {strides = array<i32>} : memref<2x128xi32, #tpu.memory_space<vmem>>, vector<16xi32>,
      %get3A_395 = arith.constant 1 : i32
      %get3A_396 = arith.index_cast %get3A_395 : i32 to index
      %get3A_397 = arith.constant 48 : index
      %get3A_398 = tpu.vector_load %arg12[%get3A_396, %get3A_397] {strides = array<i32>} : memref<2x128xi32, #tpu.memory_space<vmem>>, vector<16xi32>,
      %gather3A_399 = tpu.vector_load_idx %arg8[%get3A_394] : memref<5120xf32, #tpu.memory_space<vmem>>[vector<16xi32>], vector<16xf32>,
      %gather3A_400 = tpu.vector_load_idx %arg9[%get3A_398] : memref<5120xf32, #tpu.memory_space<vmem>>[vector<16xi32>], vector<16xf32>,
      %add3A_401 = arith.addf %gather3A_399, %gather3A_400 : vector<16xf32>
      %mul3A_402 = arith.constant 2.000000e-01 : f32
      %mul3A_403 = vector.broadcast %mul3A_402 : f32 to vector<16xf32>
      %mul3A_404 = arith.mulf %mul3A_403, %add3A_401 : vector<16xf32>
      %max3A_405 = arith.maximumf %add3A_401, %mul3A_404 : vector<16xf32>
      %exp3A_406 = math.exp %max3A_405 : vector<16xf32>
      %swap3A_407 = arith.constant 1 : i32
      %swap3A_408 = arith.index_cast %swap3A_407 : i32 to index
      %swap3A_409 = arith.constant 48 : index
      %swap3A_410 = tpu.vector_load %arg13[%swap3A_408, %swap3A_409] {strides = array<i32>} : memref<2x128xf32, #tpu.memory_space<vmem>>, vector<16xf32>,
      tpu.vector_store %arg13[%swap3A_408, %swap3A_409], %exp3A_406 {strides = array<i32>} : memref<2x128xf32, #tpu.memory_space<vmem>>, vector<16xf32>,
      %add3A_411 = arith.constant 0 : i32
      %add3A_412 = vector.broadcast %add3A_411 : i32 to vector<16xi32>
      %add3A_413 = arith.addi %get3A_398, %add3A_412 : vector<16xi32>
      tpu.vector_store_idx %arg10[%add3A_413], %exp3A_406 {add = true} : memref<5120xf32, #tpu.memory_space<vmem>>[vector<16xi32>], vector<16xf32>,
      %get3A_414 = arith.constant 1 : i32
      %get3A_415 = arith.index_cast %get3A_414 : i32 to index
      %get3A_416 = arith.constant 64 : index
      %get3A_417 = tpu.vector_load %arg11[%get3A_415, %get3A_416] {strides = array<i32>} : memref<2x128xi32, #tpu.memory_space<vmem>>, vector<16xi32>,
      %get3A_418 = arith.constant 1 : i32
      %get3A_419 = arith.index_cast %get3A_418 : i32 to index
      %get3A_420 = arith.constant 64 : index
      %get3A_421 = tpu.vector_load %arg12[%get3A_419, %get3A_420] {strides = array<i32>} : memref<2x128xi32, #tpu.memory_space<vmem>>, vector<16xi32>,
      %gather3A_422 = tpu.vector_load_idx %arg8[%get3A_417] : memref<5120xf32, #tpu.memory_space<vmem>>[vector<16xi32>], vector<16xf32>,
      %gather3A_423 = tpu.vector_load_idx %arg9[%get3A_421] : memref<5120xf32, #tpu.memory_space<vmem>>[vector<16xi32>], vector<16xf32>,
      %add3A_424 = arith.addf %gather3A_422, %gather3A_423 : vector<16xf32>
      %mul3A_425 = arith.constant 2.000000e-01 : f32
      %mul3A_426 = vector.broadcast %mul3A_425 : f32 to vector<16xf32>
      %mul3A_427 = arith.mulf %mul3A_426, %add3A_424 : vector<16xf32>
      %max3A_428 = arith.maximumf %add3A_424, %mul3A_427 : vector<16xf32>
      %exp3A_429 = math.exp %max3A_428 : vector<16xf32>
      %swap3A_430 = arith.constant 1 : i32
      %swap3A_431 = arith.index_cast %swap3A_430 : i32 to index
      %swap3A_432 = arith.constant 64 : index
      %swap3A_433 = tpu.vector_load %arg13[%swap3A_431, %swap3A_432] {strides = array<i32>} : memref<2x128xf32, #tpu.memory_space<vmem>>, vector<16xf32>,
      tpu.vector_store %arg13[%swap3A_431, %swap3A_432], %exp3A_429 {strides = array<i32>} : memref<2x128xf32, #tpu.memory_space<vmem>>, vector<16xf32>,
      %add3A_434 = arith.constant 0 : i32
      %add3A_435 = vector.broadcast %add3A_434 : i32 to vector<16xi32>
      %add3A_436 = arith.addi %get3A_421, %add3A_435 : vector<16xi32>
      tpu.vector_store_idx %arg10[%add3A_436], %exp3A_429 {add = true} : memref<5120xf32, #tpu.memory_space<vmem>>[vector<16xi32>], vector<16xf32>,
      %get3A_437 = arith.constant 1 : i32
      %get3A_438 = arith.index_cast %get3A_437 : i32 to index
      %get3A_439 = arith.constant 80 : index
      %get3A_440 = tpu.vector_load %arg11[%get3A_438, %get3A_439] {strides = array<i32>} : memref<2x128xi32, #tpu.memory_space<vmem>>, vector<16xi32>,
      %get3A_441 = arith.constant 1 : i32
      %get3A_442 = arith.index_cast %get3A_441 : i32 to index
      %get3A_443 = arith.constant 80 : index
      %get3A_444 = tpu.vector_load %arg12[%get3A_442, %get3A_443] {strides = array<i32>} : memref<2x128xi32, #tpu.memory_space<vmem>>, vector<16xi32>,
      %gather3A_445 = tpu.vector_load_idx %arg8[%get3A_440] : memref<5120xf32, #tpu.memory_space<vmem>>[vector<16xi32>], vector<16xf32>,
      %gather3A_446 = tpu.vector_load_idx %arg9[%get3A_444] : memref<5120xf32, #tpu.memory_space<vmem>>[vector<16xi32>], vector<16xf32>,
      %add3A_447 = arith.addf %gather3A_445, %gather3A_446 : vector<16xf32>
      %mul3A_448 = arith.constant 2.000000e-01 : f32
      %mul3A_449 = vector.broadcast %mul3A_448 : f32 to vector<16xf32>
      %mul3A_450 = arith.mulf %mul3A_449, %add3A_447 : vector<16xf32>
      %max3A_451 = arith.maximumf %add3A_447, %mul3A_450 : vector<16xf32>
      %exp3A_452 = math.exp %max3A_451 : vector<16xf32>
      %swap3A_453 = arith.constant 1 : i32
      %swap3A_454 = arith.index_cast %swap3A_453 : i32 to index
      %swap3A_455 = arith.constant 80 : index
      %swap3A_456 = tpu.vector_load %arg13[%swap3A_454, %swap3A_455] {strides = array<i32>} : memref<2x128xf32, #tpu.memory_space<vmem>>, vector<16xf32>,
      tpu.vector_store %arg13[%swap3A_454, %swap3A_455], %exp3A_452 {strides = array<i32>} : memref<2x128xf32, #tpu.memory_space<vmem>>, vector<16xf32>,
      %add3A_457 = arith.constant 0 : i32
      %add3A_458 = vector.broadcast %add3A_457 : i32 to vector<16xi32>
      %add3A_459 = arith.addi %get3A_444, %add3A_458 : vector<16xi32>
      tpu.vector_store_idx %arg10[%add3A_459], %exp3A_452 {add = true} : memref<5120xf32, #tpu.memory_space<vmem>>[vector<16xi32>], vector<16xf32>,
      %get3A_460 = arith.constant 1 : i32
      %get3A_461 = arith.index_cast %get3A_460 : i32 to index
      %get3A_462 = arith.constant 96 : index
      %get3A_463 = tpu.vector_load %arg11[%get3A_461, %get3A_462] {strides = array<i32>} : memref<2x128xi32, #tpu.memory_space<vmem>>, vector<16xi32>,
      %get3A_464 = arith.constant 1 : i32
      %get3A_465 = arith.index_cast %get3A_464 : i32 to index
      %get3A_466 = arith.constant 96 : index
      %get3A_467 = tpu.vector_load %arg12[%get3A_465, %get3A_466] {strides = array<i32>} : memref<2x128xi32, #tpu.memory_space<vmem>>, vector<16xi32>,
      %gather3A_468 = tpu.vector_load_idx %arg8[%get3A_463] : memref<5120xf32, #tpu.memory_space<vmem>>[vector<16xi32>], vector<16xf32>,
      %gather3A_469 = tpu.vector_load_idx %arg9[%get3A_467] : memref<5120xf32, #tpu.memory_space<vmem>>[vector<16xi32>], vector<16xf32>,
      %add3A_470 = arith.addf %gather3A_468, %gather3A_469 : vector<16xf32>
      %mul3A_471 = arith.constant 2.000000e-01 : f32
      %mul3A_472 = vector.broadcast %mul3A_471 : f32 to vector<16xf32>
      %mul3A_473 = arith.mulf %mul3A_472, %add3A_470 : vector<16xf32>
      %max3A_474 = arith.maximumf %add3A_470, %mul3A_473 : vector<16xf32>
      %exp3A_475 = math.exp %max3A_474 : vector<16xf32>
      %swap3A_476 = arith.constant 1 : i32
      %swap3A_477 = arith.index_cast %swap3A_476 : i32 to index
      %swap3A_478 = arith.constant 96 : index
      %swap3A_479 = tpu.vector_load %arg13[%swap3A_477, %swap3A_478] {strides = array<i32>} : memref<2x128xf32, #tpu.memory_space<vmem>>, vector<16xf32>,
      tpu.vector_store %arg13[%swap3A_477, %swap3A_478], %exp3A_475 {strides = array<i32>} : memref<2x128xf32, #tpu.memory_space<vmem>>, vector<16xf32>,
      %add3A_480 = arith.constant 0 : i32
      %add3A_481 = vector.broadcast %add3A_480 : i32 to vector<16xi32>
      %add3A_482 = arith.addi %get3A_467, %add3A_481 : vector<16xi32>
      tpu.vector_store_idx %arg10[%add3A_482], %exp3A_475 {add = true} : memref<5120xf32, #tpu.memory_space<vmem>>[vector<16xi32>], vector<16xf32>,
      %get3A_483 = arith.constant 1 : i32
      %get3A_484 = arith.index_cast %get3A_483 : i32 to index
      %get3A_485 = arith.constant 112 : index
      %get3A_486 = tpu.vector_load %arg11[%get3A_484, %get3A_485] {strides = array<i32>} : memref<2x128xi32, #tpu.memory_space<vmem>>, vector<16xi32>,
      %get3A_487 = arith.constant 1 : i32
      %get3A_488 = arith.index_cast %get3A_487 : i32 to index
      %get3A_489 = arith.constant 112 : index
      %get3A_490 = tpu.vector_load %arg12[%get3A_488, %get3A_489] {strides = array<i32>} : memref<2x128xi32, #tpu.memory_space<vmem>>, vector<16xi32>,
      %gather3A_491 = tpu.vector_load_idx %arg8[%get3A_486] : memref<5120xf32, #tpu.memory_space<vmem>>[vector<16xi32>], vector<16xf32>,
      %gather3A_492 = tpu.vector_load_idx %arg9[%get3A_490] : memref<5120xf32, #tpu.memory_space<vmem>>[vector<16xi32>], vector<16xf32>,
      %add3A_493 = arith.addf %gather3A_491, %gather3A_492 : vector<16xf32>
      %mul3A_494 = arith.constant 2.000000e-01 : f32
      %mul3A_495 = vector.broadcast %mul3A_494 : f32 to vector<16xf32>
      %mul3A_496 = arith.mulf %mul3A_495, %add3A_493 : vector<16xf32>
      %max3A_497 = arith.maximumf %add3A_493, %mul3A_496 : vector<16xf32>
      %exp3A_498 = math.exp %max3A_497 : vector<16xf32>
      %swap3A_499 = arith.constant 1 : i32
      %swap3A_500 = arith.index_cast %swap3A_499 : i32 to index
      %swap3A_501 = arith.constant 112 : index
      %swap3A_502 = tpu.vector_load %arg13[%swap3A_500, %swap3A_501] {strides = array<i32>} : memref<2x128xf32, #tpu.memory_space<vmem>>, vector<16xf32>,
      tpu.vector_store %arg13[%swap3A_500, %swap3A_501], %exp3A_498 {strides = array<i32>} : memref<2x128xf32, #tpu.memory_space<vmem>>, vector<16xf32>,
      %add3A_503 = arith.constant 0 : i32
      %add3A_504 = vector.broadcast %add3A_503 : i32 to vector<16xi32>
      %add3A_505 = arith.addi %get3A_490, %add3A_504 : vector<16xi32>
      tpu.vector_store_idx %arg10[%add3A_505], %exp3A_498 {add = true} : memref<5120xf32, #tpu.memory_space<vmem>>[vector<16xi32>], vector<16xf32>,
      %mul3A_506 = arith.constant 40 : i32
      %mul3A_507 = arith.muli %add3A, %mul3A_506 : i32
      %add3A_508 = arith.addi %mul3A_507, %add3A_287 : i32
      %mul3A_509 = arith.constant 1 : i32
      %mul3A_510 = arith.muli %add3A_508, %mul3A_509 : i32
      %add3A_511 = arith.constant 0 : i32
      %add3A_512 = arith.addi %mul3A_510, %add3A_511 : i32
      %mul3A_513 = arith.constant 128 : i32
      %mul3A_514 = arith.muli %add3A_512, %mul3A_513 : i32
      %dma_start3A_515 = arith.constant 1 : i32
      %dma_start3A_516 = arith.constant 0 : i32
      %dma_start3A_517 = tpu.memref_slice %arg13[%dma_start3A_515, %dma_start3A_516] : memref<2x128xf32, #tpu.memory_space<vmem>> -> memref<1x128xf32, #tpu.memory_space<vmem>>
      %dma_start3A_518 = tpu.memref_squeeze %dma_start3A_517 : memref<1x128xf32, #tpu.memory_space<vmem>> -> memref<128xf32, #tpu.memory_space<vmem>>
      %dma_start3A_519 = tpu.memref_slice %arg6[%mul3A_514] : memref<163840xf32, #tpu.memory_space<hbm>> -> memref<128xf32, #tpu.memory_space<hbm>>
      %dma_start3A_520 = tpu.memref_slice %arg6[%mul3A_514] : memref<163840xf32, #tpu.memory_space<hbm>> -> memref<128xf32, #tpu.memory_space<hbm>>
      %dma_start3A_521 = arith.constant 0 : i32
      %dma_start3A_522 = tpu.memref_slice %arg13[%dma_start3A_515, %dma_start3A_521] : memref<2x128xf32, #tpu.memory_space<vmem>> -> memref<1x128xf32, #tpu.memory_space<vmem>>
      %dma_start3A_523 = tpu.memref_squeeze %dma_start3A_522 : memref<1x128xf32, #tpu.memory_space<vmem>> -> memref<128xf32, #tpu.memory_space<vmem>>
      tpu.enqueue_dma source(%dma_start3A_523 : memref<128xf32, #tpu.memory_space<vmem>>) target(%dma_start3A_520 : memref<128xf32, #tpu.memory_space<hbm>>) target_semaphore(%arg17 : memref<!tpu.dma_semaphore, #tpu.memory_space<semaphore_mem>>)
    }
    %scan3A_30 = arith.constant 20 : i32
    %dma_wait3A = arith.constant 0 : i32
    %dma_wait3A_31 = arith.constant 0 : i32
    %dma_wait3A_32 = tpu.memref_slice %arg13[%dma_wait3A, %dma_wait3A_31] : memref<2x128xf32, #tpu.memory_space<vmem>> -> memref<1x128xf32, #tpu.memory_space<vmem>>
    %dma_wait3A_33 = tpu.memref_squeeze %dma_wait3A_32 : memref<1x128xf32, #tpu.memory_space<vmem>> -> memref<128xf32, #tpu.memory_space<vmem>>
    %dma_wait3A_34 = arith.constant 0 : i32
    %dma_wait3A_35 = tpu.memref_slice %arg6[%dma_wait3A_34] : memref<163840xf32, #tpu.memory_space<hbm>> -> memref<128xf32, #tpu.memory_space<hbm>>
    %dma_wait3A_36 = arith.constant 0 : i32
    %dma_wait3A_37 = tpu.memref_slice %arg6[%dma_wait3A_36] : memref<163840xf32, #tpu.memory_space<hbm>> -> memref<128xf32, #tpu.memory_space<hbm>>
    %dma_wait3A_38 = arith.constant 0 : i32
    %dma_wait3A_39 = tpu.memref_slice %arg13[%dma_wait3A, %dma_wait3A_38] : memref<2x128xf32, #tpu.memory_space<vmem>> -> memref<1x128xf32, #tpu.memory_space<vmem>>
    %dma_wait3A_40 = tpu.memref_squeeze %dma_wait3A_39 : memref<1x128xf32, #tpu.memory_space<vmem>> -> memref<128xf32, #tpu.memory_space<vmem>>
    tpu.wait_dma2 semaphore(%arg16 : memref<!tpu.dma_semaphore, #tpu.memory_space<semaphore_mem>>) src(%dma_wait3A_40 : memref<128xf32, #tpu.memory_space<vmem>>) dst(%dma_wait3A_37 : memref<128xf32, #tpu.memory_space<hbm>>)
    %dma_wait3A_41 = arith.constant 1 : i32
    %dma_wait3A_42 = arith.constant 0 : i32
    %dma_wait3A_43 = tpu.memref_slice %arg13[%dma_wait3A_41, %dma_wait3A_42] : memref<2x128xf32, #tpu.memory_space<vmem>> -> memref<1x128xf32, #tpu.memory_space<vmem>>
    %dma_wait3A_44 = tpu.memref_squeeze %dma_wait3A_43 : memref<1x128xf32, #tpu.memory_space<vmem>> -> memref<128xf32, #tpu.memory_space<vmem>>
    %dma_wait3A_45 = arith.constant 0 : i32
    %dma_wait3A_46 = tpu.memref_slice %arg6[%dma_wait3A_45] : memref<163840xf32, #tpu.memory_space<hbm>> -> memref<128xf32, #tpu.memory_space<hbm>>
    %dma_wait3A_47 = arith.constant 0 : i32
    %dma_wait3A_48 = tpu.memref_slice %arg6[%dma_wait3A_47] : memref<163840xf32, #tpu.memory_space<hbm>> -> memref<128xf32, #tpu.memory_space<hbm>>
    %dma_wait3A_49 = arith.constant 0 : i32
    %dma_wait3A_50 = tpu.memref_slice %arg13[%dma_wait3A_41, %dma_wait3A_49] : memref<2x128xf32, #tpu.memory_space<vmem>> -> memref<1x128xf32, #tpu.memory_space<vmem>>
    %dma_wait3A_51 = tpu.memref_squeeze %dma_wait3A_50 : memref<1x128xf32, #tpu.memory_space<vmem>> -> memref<128xf32, #tpu.memory_space<vmem>>
    tpu.wait_dma2 semaphore(%arg17 : memref<!tpu.dma_semaphore, #tpu.memory_space<semaphore_mem>>) src(%dma_wait3A_51 : memref<128xf32, #tpu.memory_space<vmem>>) dst(%dma_wait3A_48 : memref<128xf32, #tpu.memory_space<hbm>>)
    "tpu.region"() ({
      %run_scoped3A = tpu.sem_alloc : memref<!tpu.dma_semaphore, #tpu.memory_space<semaphore_mem>>
      %dma_start3A_52 = arith.constant 0 : i32
      %dma_start3A_53 = tpu.memref_slice %arg7[%add3A, %dma_start3A_52] : memref<32x5120xf32, #tpu.memory_space<hbm>> -> memref<1x5120xf32, #tpu.memory_space<hbm>>
      %dma_start3A_54 = tpu.memref_squeeze %dma_start3A_53 : memref<1x5120xf32, #tpu.memory_space<hbm>> -> memref<5120xf32, #tpu.memory_space<hbm>>
      %dma_start3A_55 = arith.constant 0 : i32
      %dma_start3A_56 = tpu.memref_slice %arg7[%add3A, %dma_start3A_55] : memref<32x5120xf32, #tpu.memory_space<hbm>> -> memref<1x5120xf32, #tpu.memory_space<hbm>>
      %dma_start3A_57 = tpu.memref_squeeze %dma_start3A_56 : memref<1x5120xf32, #tpu.memory_space<hbm>> -> memref<5120xf32, #tpu.memory_space<hbm>>
      tpu.enqueue_dma source(%arg10 : memref<5120xf32, #tpu.memory_space<vmem>>) target(%dma_start3A_57 : memref<5120xf32, #tpu.memory_space<hbm>>) target_semaphore(%run_scoped3A : memref<!tpu.dma_semaphore, #tpu.memory_space<semaphore_mem>>)
      %dma_wait3A_58 = arith.constant 0 : i32
      %dma_wait3A_59 = tpu.memref_slice %arg7[%add3A, %dma_wait3A_58] : memref<32x5120xf32, #tpu.memory_space<hbm>> -> memref<1x5120xf32, #tpu.memory_space<hbm>>
      %dma_wait3A_60 = tpu.memref_squeeze %dma_wait3A_59 : memref<1x5120xf32, #tpu.memory_space<hbm>> -> memref<5120xf32, #tpu.memory_space<hbm>>
      %dma_wait3A_61 = arith.constant 0 : i32
      %dma_wait3A_62 = tpu.memref_slice %arg7[%add3A, %dma_wait3A_61] : memref<32x5120xf32, #tpu.memory_space<hbm>> -> memref<1x5120xf32, #tpu.memory_space<hbm>>
      %dma_wait3A_63 = tpu.memref_squeeze %dma_wait3A_62 : memref<1x5120xf32, #tpu.memory_space<hbm>> -> memref<5120xf32, #tpu.memory_space<hbm>>
      tpu.wait_dma2 semaphore(%run_scoped3A : memref<!tpu.dma_semaphore, #tpu.memory_space<semaphore_mem>>) src(%arg10 : memref<5120xf32, #tpu.memory_space<vmem>>) dst(%dma_wait3A_63 : memref<5120xf32, #tpu.memory_space<hbm>>)
      tpu.yield
    }) : () -> ()
    return
  }
}

</mosaic_0001>

<sc_bundles>
// kernel: _attn_stats.3.cloned.1.call-start
scs
__scs_entry_jumppad:
0x0: {  	(pc) =	sbr.rel $0x88, $3  }
0x1: {  	(tag) =	ssettag $0x0;
	lr =	simm.s32 $0x1  }
0x2: {  	[smem:$0x3F9D] =	sst lr;
	_ =	strace $0xD0000000  }
0x3: {  	_ = 	snop  }
0x4: {  	_ = 	snop  }
0x5: {  	_ = 	snop  }
0x6: {  	_ = 	snop  }
0x7: {  	_ = 	snop  }
__scs_overlays_trampoline_lowered:
0x8: {  	[smem:$0x3FAC] =	sst s0  }
0x9: {  	[smem:$0x3FAD] =	sst s1  }
0xa: {  	[smem:$0x3FAE] =	sst s2  }
0xb: {  	[smem:$0x3FAF] =	sst s3  }
0xc: {  	[smem:$0x3FB0] =	sst s4  }
0xd: {  	[smem:$0x3FB1] =	sst s5  }
0xe: {  	[smem:$0x3FB2] =	sst s6  }
0xf: {  	[smem:$0x3FB3] =	sst s7  }
0x10: {  	[smem:$0x3FB4] =	sst s8  }
0x11: {  	[smem:$0x3FB5] =	sst s9;
	s0 =	simm.s32 @!p0 $0x0  }
0x12: {  	s1 =	sld [smem:$0x3F9B];
	s0 =	simm.s32 @p0 $0x1  }
0x13: {  	[smem:$0x3FB6] =	sst s0;
	s0 =	simm.s32 @!p1 $0x0  }
0x14: {  	s2 =	sld [smem:$0x3F9A];
	s0 =	simm.s32 @p1 $0x1  }
0x15: {  	[smem:$0x3FB7] =	sst s0;
	s0 =	simm.s32 @!p2 $0x0  }
0x16: {  	s3 =	sld [smem:$0x3FDB];
	s0 =	simm.s32 @p2 $0x1  }
0x17: {  	s4 =	simm.s32 $0x1BF5;
	[smem:$0x3FB9] =	sst s0  }
0x18: {  	s0 =	sld [smem:$0x3F9C];
	_ =	swait.ge [sflag:s4], $0x0  }
0x19: {  	s7 =	sld [smem:$0x3F9D]  }
0x1a: {  	s8 =	sadd.s32 $0xFFFFE003, lr  }
0x1b: {  	s9 =	sadd.s32 $0xFFFFFEF7, lr;
	s5 =	simm.s32 $0xFFFFFFFF;
	p2 =	slt.u32 s8, $0xFFFFF086  }
0x1c: {  	p1 =	slt.u32 s9, $0xF7A;
	s5 =	simm.s32 @!p2 $0x0  }
0x1d: {  	s5 =	simm.s32 @p1 $0x1;
	p0 =	seq.s32 s7, s2  }
0x1e: {  	s7 =	smul.u32 @!p0 $0xF7A, s2;
	p2 =	seq.s32 @!p0 s5, $0x0  }
0x1f: {  	s9 =	smul.u32 $0xF7A, s1;
	s8 =	simm.s32 @!p0 $0x1BF5;
	p2 =	por !p2, p0  }
0x20: {  	[sflag:s8] =	ssyncset.s32 @!p0 $0xFFFFF086;
	s6 =	sadd.s32 @!p0 s3, s7;
	s7 =	simm.s32 @!p0 $0x108  }
0x21: {  	s3 =	sadd.s32 s3, s9;
	s6 =	sadd.s32 @!p0 $0x88, s6;
	s7 =	simm.s32 @p2 $0x1082  }
0x22: {  	[simem:s7], [sflag:s8] =	dma.local @!p0 [hbm:s6], $0xF7A  }
0x23: {  	s9 =	sor.u32 $0xD0000000, s2;
	s6 =	simm.s32 $0x108;
	_ =	swait.ge @!p0 [sflag:s8], $0x0  }
0x24: {  	s3 =	sadd.s32 $0x88, s3;
	s6 =	simm.s32 @!p1 $0x1082;
	[sflag:s4] =	ssyncset.s32 $0xFFFFF086  }
0x25: {  	[simem:s6], [sflag:s4] =	dma.local [hbm:s3], $0xF7A  }
0x26: {  	[smem:$0x3F9D] =	sst s1;
	(tag) =	ssettag s2;
	_ =	strace s9  }
0x27: {  	s1 =	sld [smem:$0x3FAD]  }
0x28: {  	s2 =	sld [smem:$0x3FAE]  }
0x29: {  	s4 =	sld [smem:$0x3FB0]  }
0x2a: {  	p0 =	seq.s32 s5, $0x0;
	s5 =	sld [smem:$0x3FB1]  }
0x2b: {  	s6 =	sld [smem:$0x3FB2]  }
0x2c: {  	s7 =	sld [smem:$0x3FB3]  }
0x2d: {  	s3 =	simm.s32 $0x108;
	s8 =	sld [smem:$0x3FB4]  }
0x2e: {  	s3 =	simm.s32 @!p0 $0x1082;
	s9 =	sld [smem:$0x3FB5]  }
0x2f: {  	lr =	sadd.s32 s0, s3;
	s0 =	sld [smem:$0x3FAC]  }
0x30: {  	s3 =	sld [smem:$0x3FAF]  }
0x31: {  	[smem:$0x3FB8] =	sst s10  }
0x32: {  	s10 =	sld [smem:$0x3FB6];
	_ =	sdelay $0x3  }
0x33: {  	p0 =	seq.s32 s10, $0x1;
	s10 =	sld [smem:$0x3FB8];
	_ =	sdelay $0x3  }
0x34: {  	[smem:$0x3FB8] =	sst s10  }
0x35: {  	s10 =	sld [smem:$0x3FB7];
	_ =	sdelay $0x3  }
0x36: {  	p1 =	seq.s32 s10, $0x1;
	s10 =	sld [smem:$0x3FB8];
	_ =	sdelay $0x3  }
0x37: {  	[smem:$0x3FB8] =	sst s10  }
0x38: {  	s10 =	sld [smem:$0x3FB9]  }
0x39: {  	_ = 	snop;
	(pc) =	sbr.ind lr, $3  }
0x3a: {  	_ = 	snop  }
0x3b: {  	_ = 	snop  }
0x3c: {  	p2 =	seq.s32 s10, $0x1;
	s10 =	sld [smem:$0x3FB8]  }
0x3d: {  	_ =	shalt  }
0x3e: {  	_ =	shalt  }
0x3f: {  	_ =	shalt  }
0x40: {  	_ =	shalt  }
0x41: {  	_ =	shalt  }
0x42: {  	_ =	shalt  }
0x43: {  	_ =	shalt  }
0x44: {  	_ =	shalt  }
0x45: {  	_ =	shalt  }
0x46: {  	_ =	shalt  }
0x47: {  	_ =	shalt  }
0x48: {  	_ =	shalt  }
0x49: {  	_ =	shalt  }
0x4a: {  	_ =	shalt  }
0x4b: {  	_ =	shalt  }
0x4c: {  	_ =	shalt  }
0x4d: {  	_ =	shalt  }
0x4e: {  	_ =	shalt  }
0x4f: {  	_ =	shalt  }
0x50: {  	_ =	shalt  }
0x51: {  	_ =	shalt  }
0x52: {  	_ =	shalt  }
0x53: {  	_ =	shalt  }
0x54: {  	_ =	shalt  }
0x55: {  	_ =	shalt  }
0x56: {  	_ =	shalt  }
0x57: {  	_ =	shalt  }
0x58: {  	_ =	shalt  }
0x59: {  	_ =	shalt  }
0x5a: {  	_ =	shalt  }
0x5b: {  	_ =	shalt  }
0x5c: {  	_ =	shalt  }
0x5d: {  	_ =	shalt  }
0x5e: {  	_ =	shalt  }
0x5f: {  	_ =	shalt  }
0x60: {  	_ =	shalt  }
0x61: {  	_ =	shalt  }
0x62: {  	_ =	shalt  }
0x63: {  	_ =	shalt  }
0x64: {  	_ =	shalt  }
0x65: {  	_ =	shalt  }
0x66: {  	_ =	shalt  }
0x67: {  	_ =	shalt  }
0x68: {  	_ =	shalt  }
0x69: {  	_ =	shalt  }
0x6a: {  	_ =	shalt  }
0x6b: {  	_ =	shalt  }
0x6c: {  	_ =	shalt  }
0x6d: {  	_ =	shalt  }
0x6e: {  	_ =	shalt  }
0x6f: {  	_ =	shalt  }
0x70: {  	_ =	shalt  }
0x71: {  	_ =	shalt  }
0x72: {  	_ =	shalt  }
0x73: {  	_ =	shalt  }
0x74: {  	_ =	shalt  }
0x75: {  	_ =	shalt  }
0x76: {  	_ =	shalt  }
0x77: {  	_ =	shalt  }
0x78: {  	_ =	shalt  }
0x79: {  	_ =	shalt  }
0x7a: {  	_ =	shalt  }
0x7b: {  	_ =	shalt  }
0x7c: {  	_ =	shalt  }
0x7d: {  	_ =	shalt  }
0x7e: {  	_ =	shalt  }
0x7f: {  	_ =	shalt  }
0x80: {  	_ =	shalt  }
0x81: {  	_ =	shalt  }
0x82: {  	_ =	shalt  }
0x83: {  	_ =	shalt  }
0x84: {  	_ =	shalt  }
0x85: {  	_ =	shalt  }
0x86: {  	_ =	shalt  }
0x87: {  	_ =	shalt  }
.Lfunc_end0:
.L_simem_size_0:
called_computation_lowered:
.L_overlay_start_0:
0x88: {  	s2 =	sld [smem:$0x3FD9]  }
0x89: {  	s3 =	sld [smem:$0x3FFE];
	_ =	sdelay $0x1  }
0x8a: {  	s1 =	srdreg.scid  }
0x8b: {  	s0 =	sand.u32 $0x1, s1  }
0x8c: {  	s14 =	sshll.u32 s0, $0xA;
	s2 =	sadd.s32 s3, s2  }
0x8d: {  	s2 =	sadd.s32 s2, s14  }
0x8e: {  	[smem:$0x3FC4] =	sst s2  }
0x8f: {  	_ = 	snop  }
0x90: {  	s2 =	sld [smem:$0x3FC9]  }
0x91: {  	s15 =	sld [smem:$0x3FD0]  }
0x92: {  	s4 =	sld [smem:$0x3FC8]  }
0x93: {  	s5 =	sld [smem:$0x3FC7]  }
0x94: {  	s7 =	simm.s32 $0xA;
	s8 =	simm.s32 $0x10;
	s6 =	sld [smem:$0x3FC6]  }
0x95: {  	[smem:s8], [sflag:s7] =	dma.local [hbm:s15], $0x1  }
0x96: {  	_ =	swait.eq [sflag:s7], $0x1  }
0x97: {  	[sflag:s7] =	ssyncset.done $0x0  }
0x98: {  	[sflag:s7] =	ssyncadd.s32 $0xFFFFFFFF  }
0x99: {  	s16 =	sld [smem:$0x10];
	(tm) =	ssettm $0x1  }
0x9a: {  	s17 =	sld [smem:$0x3FFB];
	_ =	sdelay $0x3  }
0x9b: {  	_ =	strace s17  }
0x9c: {  	s7 =	sld [smem:$0x3FFC];
	_ =	sdelay $0x3  }
0x9d: {  	_ =	strace s7  }
0x9e: {  	s7 =	sld [smem:$0x3FFD];
	_ =	sdelay $0x3  }
0x9f: {  	_ =	strace s7  }
0xa0: {  	_ =	strace $0x8FFFFFFF  }
0xa1: {  	s18 =	sld [smem:$0x3FDB];
	_ =	sdelay $0x1  }
0xa2: {  	s19 =	simm.s32 $_scs_section_size  }
0xa3: {  	s9 =	simm.s32 $_size__tile_overlayer_lowered;
	s10 =	simm.s32 $_tile_overlayer_lowered  }
0xa4: {  	s22 =	simm.s32 $0x1BFF;
	s21 =	sshll.u32 s10, $0x1;
	s7 =	sadd.s32 s19, s18  }
0xa5: {  	s11 =	simm.s32 $0x0;
	s20 =	sshll.u32 s9, $0x1;
	s9 =	sadd.s32 s21, s7  }
0xa6: {  	[timem:s11], [sflag:s22] =	dma.local [hbm:s9], s20  }
0xa7: {  	_ =	swait.ge [sflag:s22], s20  }
0xa8: {  	s8 =	ssub.s32 $0x0, s20;
	[sflag:s22] =	ssyncset.done $0x0  }
0xa9: {  	[sflag:s22] =	ssyncadd.s32 s8;
	_ =	sdelay $0x1  }
0xaa: {  	s23 =	simm.s32 $0x1B8B  }
0xab: {  	_ =	swait.ge [sflag:s23], $0x1  }
0xac: {  	[sflag:s23] =	ssyncset.done $0x0  }
0xad: {  	s25 =	simm.s32 $0x1B8E;
	s24 =	sld [smem:$0x3FFE];
	[sflag:s23] =	ssyncadd.s32 $0xFFFFFFFF  }
0xae: {  	s26 =	simm.s32 $execute0_lowered;
	[smem:$0x3FD2] =	sst s25  }
0xaf: {  	s9 =	sshll.u32 s26, $0x1;
	_ =	strace $0x80000046;
	[dreg:$0x1] =	wrdreg $0xFFFFFFFF  }
0xb0: {  	s28 =	simm.s32 $_size_execute0_lowered;
	s7 =	sadd.s32 s7, s9;
	[dreg:$0x0] =	wrdreg $0x0  }
0xb1: {  	s9 =	sshll.u32 s28, $0x1;
	[dreg:$0x2] =	wrdreg s7  }
0xb2: {  	[dreg:$0x3] =	wrdreg s9  }
0xb3: {  	[dreg:$0x4] =	wrdreg $0xC0  }
0xb4: {  	_ =	task [dreg:s11], $0x5FFFF  }
0xb5: {  	[dreg:$0x1] =	wrdreg $0xFFFFFFFF  }
0xb6: {  	[dreg:$0x0] =	wrdreg $0x60  }
0xb7: {  	[dreg:$0x2] =	wrdreg s2  }
0xb8: {  	[dreg:$0x3] =	wrdreg s4  }
0xb9: {  	[dreg:$0x4] =	wrdreg s5  }
0xba: {  	[dreg:$0x5] =	wrdreg s6  }
0xbb: {  	[dreg:$0x6] =	wrdreg s16  }
0xbc: {  	[dreg:$0x7] =	wrdreg s24  }
0xbd: {  	[dreg:$0x8] =	wrdreg $0x9  }
0xbe: {  	_ =	task.clear_ibuf [dreg:s11], $0x9FFFF;
	_ =	strace $0x90000046  }
0xbf: {  	s29 =	simm.s32 $0x9;
	_ =	strace $0x80000048  }
0xc0: {  	_ =	swait.ge [sflag:s29], $0x1  }
0xc1: {  	[sflag:s29] =	ssyncadd.s32 $0xFFFFFFFF  }
0xc2: {  	_ =	strace $0x90000048  }
0xc3: {  	_ =	sfence  }
0xc4: {  	s30 =	sld [smem:$0x0];
	_ =	sdelay $0x2  }
0xc5: {  	s31 =	sshll.u32 s1, $0xD;
	s1 =	sshrl.u32 s1, $0x2  }
0xc6: {  	s3 =	sand.u32 $0x4000, s31;
	s1 =	sadd.s32 s1, s30  }
0xc7: {  	s0 =	sor.u32 s3, s0;
	s1 =	sshll.u32 s1, $0x11  }
0xc8: {  	s0 =	sor.u32 s1, s0  }
0xc9: {  	s0 =	sadd.s32 $0x8F2B, s0  }
0xca: {  	[sflag:s0] =	ssyncadd.remote.s32 $0x1  }
0xcb: {  	_ =	sfence.sel $0xFFFF  }
0xcc: {  	[dreg:$0x0] =	wrdreg $0xFFFFFFFF;
	(pc) =	sbr.abs _section_cstart, $3  }
0xcd: {  	[dreg:$0x1] =	wrdreg $0xFFFFFFFF  }
0xce: {  	_ =	task.clear_ibuf [dreg:s11], $0x2FFFF;
	_ =	strace $0x9FFFFFFF  }
0xcf: {  	(tm) =	ssettm $0x7FFFFFFF  }
tec
execute0_lowered:
.L_overlay_start_1:
0x0: {  	(tag) =	ssettag $0x1  }
0x1: {  	s12 =	rddreg [dreg:$0x0]  }
0x2: {  	s11 =	rddreg [dreg:$0x1]  }
0x3: {  	s1 =	rddreg [dreg:$0x2]  }
0x4: {  	s2 =	rddreg [dreg:$0x3]  }
0x5: {  	s3 =	srdreg.scid;
	s14 =	rddreg [dreg:$0x4]  }
0x6: {  	s0 =	stileid.u32;
	s5 =	rddreg [dreg:$0x5];
	s4 =	simm.s32 $0x0  }
0x7: {  	s19 =	simm.s32 $0x1;
	s20 =	simm.s32 $0x3C80;
	s7 =	smul.u32 $0x2800, s0  }
0x8: {  	s21 =	simm.s32 $0x3D80;
	s22 =	simm.s32 $0x2800;
	s17 =	smul.u32 $0x50, s0  }
0x9: {  	s28 =	simm.s32 $0x4;
	s13 =	sand.u32 $0x1, s3;
	s30 =	smul.u32 $0x500, s0  }
0xa: {  	s29 =	simm.s32 $0x0;
	s23 =	sshll.u32 s0, $0x1;
	s9 =	smul.u32 $0x1400, s13  }
0xb: {  	[smem:$0x7FF] =	sst s4;
	s3 =	sor.u32 s13, s23;
	s18 =	smul.u32 $0x28, s13  }
0xc: {  	s8 =	ssub.s32 $0x2, s13;
	s31 =	smul.u32 $0x280, s13;
	s23 =	simm.s32 $0x3E00  }
0xd: {  	s6 =	smul.u32 $0x1400, s3;
	s3 =	rddreg [dreg:$0x6];
	s10 =	sshrl.u32 s8, $0x1  }
0xe: {  	_ =	strace $0x80000047;
	s8 =	ssub.s32 s8, s10;
	s16 =	sadd.s32 s9, s7  }
0xf: {  	s26 =	sadd.s32 s18, s17;
	s17 =	simm.s32 $0x3C00;
	s18 =	simm.s32 $0x3D00  }
0x10: {  	s6 =	sshrl.u32 s6, $0x3;
	s7 =	sor.u32 $0x100, s16;
	s8 =	smax.u32 s8, $0x1  }
0x11: {  	s25 =	sor.u32 $0x80, s16;
	s16 =	sshll.u32 s26, $0x4;
	s26 =	simm.s32 $0x3  }
0x12: {  	s15 =	sadd.s32 s6, s5;
	s5 =	sadd.s32 s12, s6;
	s6 =	sadd.s32 s11, s6  }
0x13: {  	s24 =	sshrl.u32 s7, $0x3;
	s16 =	sadd.s32 s16, s14;
	s14 =	sadd.s32 s30, s14  }
0x14: {  	s7 =	sadd.s32 $0x800, s15;
	s9 =	sadd.s32 s24, s11;
	s10 =	sadd.s32 s24, s12  }
0x15: {  	s15 =	sshrl.u32 s25, $0x3;
	s13 =	sadd.s32 $0x10, s16;
	s14 =	sadd.s32 s31, s14  }
0x16: {  	s16 =	simm.s32 $0x1400;
	s24 =	simm.s32 $0x2;
	s25 =	simm.s32 $0x3E80  }
0x17: {  	v0 =	vimm.f32 $0.0e+00;
	s11 =	sadd.s32 s15, s11;
	s12 =	sadd.s32 s15, s12;
	s15 =	simm.s32 $0x5  }
.LBB2_1:
0x18: {  	s30 =	simm.s32 $0x40;
	s31 =	simm.s32 $0x0  }
.LBB2_2:
0x19: {  	p0 =	sne.s32 s30, $0x4FC0;
	[tilespmem:s31+$0x2800] =	vst v0;
	s31 =	smov.u32 s30;
	s30 =	sadd.s32 $0x40, s30  }
.Ltmp0:
0x1a: {  	(pc) =	sbr.rel @p0 .LBB2_2-.Ltmp0, $2  }
0x1b: {  	_ =	sdelay $0x2  }
0x1c: {  	s31 =	sshra.s32 s31, $0x2  }
0x1d: {  	[tilespmem:s31+$0x2800] =	vst v0;
	s30 =	simm.s32 $0x0  }
0x1e: {  	[tilespmem:s30], [sflag:$0x5] =	stream.linear.gather [hbm4b:s1+s30], $0x1400, $0x38;
	[tilespmem:$0x3F00] =	vst v63  }
0x1f: {  	_ =	swait.ge [sflag:s15], $0x1400  }
0x20: {  	[sflag:s15] =	ssyncset.done $0x0  }
0x21: {  	[sflag:s15] =	ssyncadd.s32 $0xFFFFEC00  }
0x22: {  	[tilespmem:s16], [sflag:$0x5] =	stream.linear.gather [hbm4b:s2+s30], $0x1400, $0x38;
	[tilespmem:$0x3F00] =	vst v63  }
0x23: {  	_ =	swait.ge [sflag:s15], $0x1400  }
0x24: {  	[sflag:s15] =	ssyncset.done $0x0  }
0x25: {  	[sflag:s15] =	ssyncadd.s32 $0xFFFFEC00  }
0x26: {  	[tilespmem:s17], [sflag:$0x1] =	stream.linear.gather [hbm4b:s5+s30], $0x80, $0x38;
	[tilespmem:$0x3F00] =	vst v63  }
0x27: {  	_ = 	snop  }
0x28: {  	[tilespmem:s18], [sflag:$0x1] =	stream.linear.gather [hbm4b:s6+s30], $0x80, $0x38;
	[tilespmem:$0x3F00] =	vst v63  }
.LBB2_4:
0x29: {  	_ =	swait.ge [sflag:s19], $0x80  }
0x2a: {  	[sflag:s19] =	ssyncset.done $0x0  }
0x2b: {  	[sflag:s19] =	ssyncadd.s32 $0xFFFFFF80  }
0x2c: {  	_ =	swait.ge [sflag:s19], $0x80  }
0x2d: {  	p0 =	seq.s32 s30, $0x0;
	[sflag:s19] =	ssyncset.done $0x0  }
0x2e: {  	s31 =	simm.s32 @!p0 $0x3;
	[sflag:s19] =	ssyncadd.s32 $0xFFFFFF80  }
0x2f: {  	_ =	swait.ge @!p0 [sflag:s31], $0x80  }
0x30: {  	[sflag:s31] =	ssyncset.done @!p0 $0x0  }
0x31: {  	[sflag:s31] =	ssyncadd.s32 @!p0 $0xFFFFFF80;
	s31 =	sadd.s32 s30, s12  }
0x32: {  	[tilespmem:s20], [sflag:$0x2] =	stream.linear.gather [hbm4b:s31+s4], $0x80, $0x38;
	[tilespmem:$0x3F00] =	vst v63  }
0x33: {  	s31 =	sadd.s32 s30, s11  }
0x34: {  	[tilespmem:s21], [sflag:$0x2] =	stream.linear.gather [hbm4b:s31+s4], $0x80, $0x38;
	[tilespmem:$0x3F00] =	vst v63  }
0x35: {  	v1 =	vld [tilespmem:$0x3C00]  }
0x36: {  	v2 =	vld [tilespmem:$0x3D00];
	_ =	sdelay $0x6  }
0x37: {  	v1 =	vld.idx.msk [tilespmem:v1+s4+$0x0], $0xffff  }
0x38: {  	v3 =	vld.idx.msk [tilespmem:v2+s16+$0x0], $0xffff;
	_ =	sdelay $0x4  }
0x39: {  	v1 =	vadd.f32 v3, v1;
	_ =	sdelay $0x1  }
0x3a: {  	v3 =	vmul.f32 $2.000000030e-01, v1;
	_ =	sdelay $0x1  }
0x3b: {  	v1 =	vmax.f32 v1, v3  }
0x3c: {  	v1 =	vmul.f32 $1.442695020e+00, v1;
	_ =	sdelay $0x1  }
0x3d: {  	(erf) = vpow2.f32 v1;
	_ =	sdelay $0x8  }
0x3e: {  	v1 =	vpop (erf)  }
0x3f: {  	[tilespmem:$0x3E00] =	vst v1  }
0x40: {  	[tilespmem:v2+s22+$0x0] =	vst.idx.add.f32.msk $0xffff, v1  }
0x41: {  	v1 =	vld [tilespmem:$0x3C10]  }
0x42: {  	v2 =	vld [tilespmem:$0x3D10];
	_ =	sdelay $0x6  }
0x43: {  	v1 =	vld.idx.msk [tilespmem:v1+s4+$0x0], $0xffff  }
0x44: {  	v3 =	vld.idx.msk [tilespmem:v2+s16+$0x0], $0xffff;
	_ =	sdelay $0x4  }
0x45: {  	v1 =	vadd.f32 v3, v1;
	_ =	sdelay $0x1  }
0x46: {  	v3 =	vmul.f32 $2.000000030e-01, v1;
	_ =	sdelay $0x1  }
0x47: {  	v1 =	vmax.f32 v1, v3  }
0x48: {  	v1 =	vmul.f32 $1.442695020e+00, v1;
	_ =	sdelay $0x1  }
0x49: {  	(erf) = vpow2.f32 v1;
	_ =	sdelay $0x8  }
0x4a: {  	v1 =	vpop (erf)  }
0x4b: {  	[tilespmem:$0x3E10] =	vst v1  }
0x4c: {  	[tilespmem:v2+s22+$0x0] =	vst.idx.add.f32.msk $0xffff, v1  }
0x4d: {  	v1 =	vld [tilespmem:$0x3C20]  }
0x4e: {  	v2 =	vld [tilespmem:$0x3D20];
	_ =	sdelay $0x6  }
0x4f: {  	v1 =	vld.idx.msk [tilespmem:v1+s4+$0x0], $0xffff  }
0x50: {  	v3 =	vld.idx.msk [tilespmem:v2+s16+$0x0], $0xffff;
	_ =	sdelay $0x4  }
0x51: {  	v1 =	vadd.f32 v3, v1;
	_ =	sdelay $0x1  }
0x52: {  	v3 =	vmul.f32 $2.000000030e-01, v1;
	_ =	sdelay $0x1  }
0x53: {  	v1 =	vmax.f32 v1, v3  }
0x54: {  	v1 =	vmul.f32 $1.442695020e+00, v1;
	_ =	sdelay $0x1  }
0x55: {  	(erf) = vpow2.f32 v1;
	_ =	sdelay $0x8  }
0x56: {  	v1 =	vpop (erf)  }
0x57: {  	[tilespmem:$0x3E20] =	vst v1  }
0x58: {  	[tilespmem:v2+s22+$0x0] =	vst.idx.add.f32.msk $0xffff, v1  }
0x59: {  	v1 =	vld [tilespmem:$0x3C30]  }
0x5a: {  	v2 =	vld [tilespmem:$0x3D30];
	_ =	sdelay $0x6  }
0x5b: {  	v1 =	vld.idx.msk [tilespmem:v1+s4+$0x0], $0xffff  }
0x5c: {  	v3 =	vld.idx.msk [tilespmem:v2+s16+$0x0], $0xffff;
	_ =	sdelay $0x4  }
0x5d: {  	v1 =	vadd.f32 v3, v1;
	_ =	sdelay $0x1  }
0x5e: {  	v3 =	vmul.f32 $2.000000030e-01, v1;
	_ =	sdelay $0x1  }
0x5f: {  	v1 =	vmax.f32 v1, v3  }
0x60: {  	v1 =	vmul.f32 $1.442695020e+00, v1;
	_ =	sdelay $0x1  }
0x61: {  	(erf) = vpow2.f32 v1;
	_ =	sdelay $0x8  }
0x62: {  	v1 =	vpop (erf)  }
0x63: {  	[tilespmem:$0x3E30] =	vst v1  }
0x64: {  	[tilespmem:v2+s22+$0x0] =	vst.idx.add.f32.msk $0xffff, v1  }
0x65: {  	v1 =	vld [tilespmem:$0x3C40]  }
0x66: {  	v2 =	vld [tilespmem:$0x3D40];
	_ =	sdelay $0x6  }
0x67: {  	v1 =	vld.idx.msk [tilespmem:v1+s4+$0x0], $0xffff  }
0x68: {  	v3 =	vld.idx.msk [tilespmem:v2+s16+$0x0], $0xffff;
	_ =	sdelay $0x4  }
0x69: {  	v1 =	vadd.f32 v3, v1;
	_ =	sdelay $0x1  }
0x6a: {  	v3 =	vmul.f32 $2.000000030e-01, v1;
	_ =	sdelay $0x1  }
0x6b: {  	v1 =	vmax.f32 v1, v3  }
0x6c: {  	v1 =	vmul.f32 $1.442695020e+00, v1;
	_ =	sdelay $0x1  }
0x6d: {  	(erf) = vpow2.f32 v1;
	_ =	sdelay $0x8  }
0x6e: {  	v1 =	vpop (erf)  }
0x6f: {  	[tilespmem:$0x3E40] =	vst v1  }
0x70: {  	[tilespmem:v2+s22+$0x0] =	vst.idx.add.f32.msk $0xffff, v1  }
0x71: {  	v1 =	vld [tilespmem:$0x3C50]  }
0x72: {  	v2 =	vld [tilespmem:$0x3D50];
	_ =	sdelay $0x6  }
0x73: {  	v1 =	vld.idx.msk [tilespmem:v1+s4+$0x0], $0xffff  }
0x74: {  	v3 =	vld.idx.msk [tilespmem:v2+s16+$0x0], $0xffff;
	_ =	sdelay $0x4  }
0x75: {  	v1 =	vadd.f32 v3, v1;
	_ =	sdelay $0x1  }
0x76: {  	v3 =	vmul.f32 $2.000000030e-01, v1;
	_ =	sdelay $0x1  }
0x77: {  	v1 =	vmax.f32 v1, v3  }
0x78: {  	v1 =	vmul.f32 $1.442695020e+00, v1;
	_ =	sdelay $0x1  }
0x79: {  	(erf) = vpow2.f32 v1;
	_ =	sdelay $0x8  }
0x7a: {  	v1 =	vpop (erf)  }
0x7b: {  	[tilespmem:$0x3E50] =	vst v1  }
0x7c: {  	[tilespmem:v2+s22+$0x0] =	vst.idx.add.f32.msk $0xffff, v1  }
0x7d: {  	v1 =	vld [tilespmem:$0x3C60]  }
0x7e: {  	v2 =	vld [tilespmem:$0x3D60];
	_ =	sdelay $0x6  }
0x7f: {  	v1 =	vld.idx.msk [tilespmem:v1+s4+$0x0], $0xffff  }
0x80: {  	v3 =	vld.idx.msk [tilespmem:v2+s16+$0x0], $0xffff;
	_ =	sdelay $0x4  }
0x81: {  	v1 =	vadd.f32 v3, v1;
	_ =	sdelay $0x1  }
0x82: {  	v3 =	vmul.f32 $2.000000030e-01, v1;
	_ =	sdelay $0x1  }
0x83: {  	v1 =	vmax.f32 v1, v3  }
0x84: {  	v1 =	vmul.f32 $1.442695020e+00, v1;
	_ =	sdelay $0x1  }
0x85: {  	(erf) = vpow2.f32 v1;
	_ =	sdelay $0x8  }
0x86: {  	v1 =	vpop (erf)  }
0x87: {  	[tilespmem:$0x3E60] =	vst v1  }
0x88: {  	[tilespmem:v2+s22+$0x0] =	vst.idx.add.f32.msk $0xffff, v1  }
0x89: {  	v1 =	vld [tilespmem:$0x3C70]  }
0x8a: {  	v2 =	vld [tilespmem:$0x3D70];
	_ =	sdelay $0x6  }
0x8b: {  	v1 =	vld.idx.msk [tilespmem:v1+s4+$0x0], $0xffff  }
0x8c: {  	v3 =	vld.idx.msk [tilespmem:v2+s16+$0x0], $0xffff;
	_ =	sdelay $0x4  }
0x8d: {  	v1 =	vadd.f32 v3, v1;
	_ =	sdelay $0x1  }
0x8e: {  	v3 =	vmul.f32 $2.000000030e-01, v1;
	_ =	sdelay $0x1  }
0x8f: {  	v1 =	vmax.f32 v1, v3  }
0x90: {  	v1 =	vmul.f32 $1.442695020e+00, v1;
	_ =	sdelay $0x1  }
0x91: {  	(erf) = vpow2.f32 v1;
	_ =	sdelay $0x8  }
0x92: {  	v1 =	vpop (erf)  }
0x93: {  	[tilespmem:$0x3E70] =	vst v1  }
0x94: {  	s31 =	sadd.s32 s30, s14;
	[tilespmem:v2+s22+$0x0] =	vst.idx.add.f32.msk $0xffff, v1  }
0x95: {  	[hbm4b:s31+s4] =	stream.linear.scatter [tilespmem:s23], [sflag:$0x3], $0x80, $0x38;
	[tilespmem:$0x3F00] =	vst v63  }
0x96: {  	_ =	swait.ge [sflag:s24], $0x80  }
0x97: {  	[sflag:s24] =	ssyncset.done $0x0  }
0x98: {  	[sflag:s24] =	ssyncadd.s32 $0xFFFFFF80  }
0x99: {  	_ =	swait.ge [sflag:s24], $0x80  }
0x9a: {  	[sflag:s24] =	ssyncset.done $0x0  }
0x9b: {  	s31 =	simm.s32 @!p0 $0x4;
	[sflag:s24] =	ssyncadd.s32 $0xFFFFFF80  }
0x9c: {  	p1 =	seq.s32 @!p0 s30, $0x260;
	_ =	swait.ge @!p0 [sflag:s31], $0x80  }
0x9d: {  	p1 =	por p0, !p1;
	[sflag:s31] =	ssyncset.done @!p0 $0x0  }
0x9e: {  	[sflag:s31] =	ssyncadd.s32 @!p0 $0xFFFFFF80;
	s31 =	sadd.s32 @p1 s30, s10  }
0x9f: {  	[tilespmem:s17], [sflag:$0x1] =	stream.linear.gather @p1 [hbm4b:s31+s4], $0x80, $0x38;
	[tilespmem:$0x3F00] =	vst v63  }
0xa0: {  	s31 =	sadd.s32 @p1 s30, s9  }
0xa1: {  	[tilespmem:s18], [sflag:$0x1] =	stream.linear.gather @p1 [hbm4b:s31+s4], $0x80, $0x38;
	[tilespmem:$0x3F00] =	vst v63  }
0xa2: {  	v1 =	vld [tilespmem:$0x3C80]  }
0xa3: {  	v2 =	vld [tilespmem:$0x3D80];
	_ =	sdelay $0x6  }
0xa4: {  	v1 =	vld.idx.msk [tilespmem:v1+s4+$0x0], $0xffff  }
0xa5: {  	v3 =	vld.idx.msk [tilespmem:v2+s16+$0x0], $0xffff;
	_ =	sdelay $0x4  }
0xa6: {  	v1 =	vadd.f32 v3, v1;
	_ =	sdelay $0x1  }
0xa7: {  	v3 =	vmul.f32 $2.000000030e-01, v1;
	_ =	sdelay $0x1  }
0xa8: {  	v1 =	vmax.f32 v1, v3  }
0xa9: {  	v1 =	vmul.f32 $1.442695020e+00, v1;
	_ =	sdelay $0x1  }
0xaa: {  	(erf) = vpow2.f32 v1;
	_ =	sdelay $0x8  }
0xab: {  	v1 =	vpop (erf)  }
0xac: {  	[tilespmem:$0x3E80] =	vst v1  }
0xad: {  	[tilespmem:v2+s22+$0x0] =	vst.idx.add.f32.msk $0xffff, v1  }
0xae: {  	v1 =	vld [tilespmem:$0x3C90]  }
0xaf: {  	v2 =	vld [tilespmem:$0x3D90];
	_ =	sdelay $0x6  }
0xb0: {  	v1 =	vld.idx.msk [tilespmem:v1+s4+$0x0], $0xffff  }
0xb1: {  	v3 =	vld.idx.msk [tilespmem:v2+s16+$0x0], $0xffff;
	_ =	sdelay $0x4  }
0xb2: {  	v1 =	vadd.f32 v3, v1;
	_ =	sdelay $0x1  }
0xb3: {  	v3 =	vmul.f32 $2.000000030e-01, v1;
	_ =	sdelay $0x1  }
0xb4: {  	v1 =	vmax.f32 v1, v3  }
0xb5: {  	v1 =	vmul.f32 $1.442695020e+00, v1;
	_ =	sdelay $0x1  }
0xb6: {  	(erf) = vpow2.f32 v1;
	_ =	sdelay $0x8  }
0xb7: {  	v1 =	vpop (erf)  }
0xb8: {  	[tilespmem:$0x3E90] =	vst v1  }
0xb9: {  	[tilespmem:v2+s22+$0x0] =	vst.idx.add.f32.msk $0xffff, v1  }
0xba: {  	v1 =	vld [tilespmem:$0x3CA0]  }
0xbb: {  	v2 =	vld [tilespmem:$0x3DA0];
	_ =	sdelay $0x6  }
0xbc: {  	v1 =	vld.idx.msk [tilespmem:v1+s4+$0x0], $0xffff  }
0xbd: {  	v3 =	vld.idx.msk [tilespmem:v2+s16+$0x0], $0xffff;
	_ =	sdelay $0x4  }
0xbe: {  	v1 =	vadd.f32 v3, v1;
	_ =	sdelay $0x1  }
0xbf: {  	v3 =	vmul.f32 $2.000000030e-01, v1;
	_ =	sdelay $0x1  }
0xc0: {  	v1 =	vmax.f32 v1, v3  }
0xc1: {  	v1 =	vmul.f32 $1.442695020e+00, v1;
	_ =	sdelay $0x1  }
0xc2: {  	(erf) = vpow2.f32 v1;
	_ =	sdelay $0x8  }
0xc3: {  	v1 =	vpop (erf)  }
0xc4: {  	[tilespmem:$0x3EA0] =	vst v1  }
0xc5: {  	[tilespmem:v2+s22+$0x0] =	vst.idx.add.f32.msk $0xffff, v1  }
0xc6: {  	v1 =	vld [tilespmem:$0x3CB0]  }
0xc7: {  	v2 =	vld [tilespmem:$0x3DB0];
	_ =	sdelay $0x6  }
0xc8: {  	v1 =	vld.idx.msk [tilespmem:v1+s4+$0x0], $0xffff  }
0xc9: {  	v3 =	vld.idx.msk [tilespmem:v2+s16+$0x0], $0xffff;
	_ =	sdelay $0x4  }
0xca: {  	v1 =	vadd.f32 v3, v1;
	_ =	sdelay $0x1  }
0xcb: {  	v3 =	vmul.f32 $2.000000030e-01, v1;
	_ =	sdelay $0x1  }
0xcc: {  	v1 =	vmax.f32 v1, v3  }
0xcd: {  	v1 =	vmul.f32 $1.442695020e+00, v1;
	_ =	sdelay $0x1  }
0xce: {  	(erf) = vpow2.f32 v1;
	_ =	sdelay $0x8  }
0xcf: {  	v1 =	vpop (erf)  }
0xd0: {  	[tilespmem:$0x3EB0] =	vst v1  }
0xd1: {  	[tilespmem:v2+s22+$0x0] =	vst.idx.add.f32.msk $0xffff, v1  }
0xd2: {  	v1 =	vld [tilespmem:$0x3CC0]  }
0xd3: {  	v2 =	vld [tilespmem:$0x3DC0];
	_ =	sdelay $0x6  }
0xd4: {  	v1 =	vld.idx.msk [tilespmem:v1+s4+$0x0], $0xffff  }
0xd5: {  	v3 =	vld.idx.msk [tilespmem:v2+s16+$0x0], $0xffff;
	_ =	sdelay $0x4  }
0xd6: {  	v1 =	vadd.f32 v3, v1;
	_ =	sdelay $0x1  }
0xd7: {  	v3 =	vmul.f32 $2.000000030e-01, v1;
	_ =	sdelay $0x1  }
0xd8: {  	v1 =	vmax.f32 v1, v3  }
0xd9: {  	v1 =	vmul.f32 $1.442695020e+00, v1;
	_ =	sdelay $0x1  }
0xda: {  	(erf) = vpow2.f32 v1;
	_ =	sdelay $0x8  }
0xdb: {  	v1 =	vpop (erf)  }
0xdc: {  	[tilespmem:$0x3EC0] =	vst v1  }
0xdd: {  	[tilespmem:v2+s22+$0x0] =	vst.idx.add.f32.msk $0xffff, v1  }
0xde: {  	v1 =	vld [tilespmem:$0x3CD0]  }
0xdf: {  	v2 =	vld [tilespmem:$0x3DD0];
	_ =	sdelay $0x6  }
0xe0: {  	v1 =	vld.idx.msk [tilespmem:v1+s4+$0x0], $0xffff  }
0xe1: {  	v3 =	vld.idx.msk [tilespmem:v2+s16+$0x0], $0xffff;
	_ =	sdelay $0x4  }
0xe2: {  	v1 =	vadd.f32 v3, v1;
	_ =	sdelay $0x1  }
0xe3: {  	v3 =	vmul.f32 $2.000000030e-01, v1;
	_ =	sdelay $0x1  }
0xe4: {  	v1 =	vmax.f32 v1, v3  }
0xe5: {  	v1 =	vmul.f32 $1.442695020e+00, v1;
	_ =	sdelay $0x1  }
0xe6: {  	(erf) = vpow2.f32 v1;
	_ =	sdelay $0x8  }
0xe7: {  	v1 =	vpop (erf)  }
0xe8: {  	[tilespmem:$0x3ED0] =	vst v1  }
0xe9: {  	[tilespmem:v2+s22+$0x0] =	vst.idx.add.f32.msk $0xffff, v1  }
0xea: {  	v1 =	vld [tilespmem:$0x3CE0]  }
0xeb: {  	v2 =	vld [tilespmem:$0x3DE0];
	_ =	sdelay $0x6  }
0xec: {  	v1 =	vld.idx.msk [tilespmem:v1+s4+$0x0], $0xffff  }
0xed: {  	v3 =	vld.idx.msk [tilespmem:v2+s16+$0x0], $0xffff;
	_ =	sdelay $0x4  }
0xee: {  	v1 =	vadd.f32 v3, v1;
	_ =	sdelay $0x1  }
0xef: {  	v3 =	vmul.f32 $2.000000030e-01, v1;
	_ =	sdelay $0x1  }
0xf0: {  	v1 =	vmax.f32 v1, v3  }
0xf1: {  	v1 =	vmul.f32 $1.442695020e+00, v1;
	_ =	sdelay $0x1  }
0xf2: {  	(erf) = vpow2.f32 v1;
	_ =	sdelay $0x8  }
0xf3: {  	v1 =	vpop (erf)  }
0xf4: {  	[tilespmem:$0x3EE0] =	vst v1  }
0xf5: {  	[tilespmem:v2+s22+$0x0] =	vst.idx.add.f32.msk $0xffff, v1  }
0xf6: {  	v1 =	vld [tilespmem:$0x3CF0]  }
0xf7: {  	v2 =	vld [tilespmem:$0x3DF0];
	_ =	sdelay $0x6  }
0xf8: {  	v1 =	vld.idx.msk [tilespmem:v1+s4+$0x0], $0xffff  }
0xf9: {  	v3 =	vld.idx.msk [tilespmem:v2+s16+$0x0], $0xffff;
	_ =	sdelay $0x4  }
0xfa: {  	v1 =	vadd.f32 v3, v1;
	_ =	sdelay $0x1  }
0xfb: {  	v3 =	vmul.f32 $2.000000030e-01, v1;
	_ =	sdelay $0x1  }
0xfc: {  	v1 =	vmax.f32 v1, v3  }
0xfd: {  	v1 =	vmul.f32 $1.442695020e+00, v1;
	_ =	sdelay $0x1  }
0xfe: {  	(erf) = vpow2.f32 v1;
	_ =	sdelay $0x5  }
0xff: {  	s31 =	sadd.s32 s30, s13;
	s30 =	sadd.s32 $0x20, s30  }
0x100: {  	p0 =	sne.s32 s30, $0x280  }
.Ltmp1:
0x101: {  	_ = 	snop;
	(pc) =	sbr.rel @p0 .LBB2_4-.Ltmp1, $4  }
0x102: {  	v1 =	vpop (erf)  }
0x103: {  	[tilespmem:$0x3EF0] =	vst v1  }
0x104: {  	[tilespmem:v2+s22+$0x0] =	vst.idx.add.f32.msk $0xffff, v1  }
0x105: {  	[hbm4b:s31+s4] =	stream.linear.scatter [tilespmem:s25], [sflag:$0x4], $0x80, $0x38;
	[tilespmem:$0x3F00] =	vst v63  }
0x106: {  	_ =	swait.ge [sflag:s26], $0x80  }
0x107: {  	[sflag:s26] =	ssyncset.done $0x0  }
0x108: {  	[sflag:s26] =	ssyncadd.s32 $0xFFFFFF80  }
0x109: {  	s29 =	sadd.s32 $0x1, s29;
	_ =	swait.ge [sflag:s28], $0x80  }
0x10a: {  	p0 =	sne.s32 s29, s8;
	[sflag:s28] =	ssyncset.done $0x0  }
.Ltmp2:
0x10b: {  	[sflag:s28] =	ssyncadd.s32 $0xFFFFFF80;
	(pc) =	sbr.rel @p0 .LBB2_1-.Ltmp2, $4  }
0x10c: {  	[hbm4b:s7+s4] =	stream.linear.scatter [tilespmem:s22], [sflag:$0x5], $0x1400, $0x38;
	[tilespmem:$0x3F00] =	vst v63  }
0x10d: {  	_ =	swait.ge [sflag:s15], $0x1400  }
0x10e: {  	[sflag:s15] =	ssyncset.done $0x0  }
0x10f: {  	[sflag:s15] =	ssyncadd.s32 $0xFFFFEC00  }
0x110: {  	_ =	sfence.sel $0x180000  }
0x111: {  	[bflag:$0x0] =	sbarrier.arrive $0xFFFF  }
0x112: {  	p0 =	sne.s32 s0, $0x0;
	_ =	strace $0x90000047  }
0x113: {  	s0 =	sadd.s32 @!p0 $0x100000, s3;
	[bflag:$0x2] =	sbarrier.arrive $0xFFFF  }
0x114: {  	[sflag:s0] =	ssyncadd.tile.s32 @!p0 $0x1;
	_ =	shalt  }
.Lfunc_end2:
_tile_overlayer_lowered:
.L_overlay_start_2:
0x115: {  	(tag) =	ssettag $0x2  }
0x116: {  	s0 =	rddreg [dreg:$0x0];
	s2 =	stileid.u32  }
0x117: {  	s1 =	rddreg [dreg:$0x1];
	p0 =	sne.s32 s2, $0x0  }
0x118: {  	s3 =	rddreg [dreg:$0x2];
	[bflag:$0x3] =	sbarrier.arrive $0xFFFF;
	s2 =	simm.s32 @!p0 $0x1C05  }
0x119: {  	[timem:s3], [sflag:s2] =	dma.local @!p0 [hbm:s0], s1  }
0x11a: {  	s0 =	simm.s32 @!p0 $0x5  }
0x11b: {  	_ =	swait.ge @!p0 [sflag:s0], s1  }
0x11c: {  	s1 =	ssub.s32 @!p0 $0x0, s1;
	[sflag:s0] =	ssyncset.done @!p0 $0x0  }
0x11d: {  	[sflag:s0] =	ssyncadd.s32 @!p0 s1  }
0x11e: {  	[bflag:$0x3] =	sbarrier.arrive $0xFFFF  }
0x11f: {  	_ =	shalt  }

</sc_bundles>
